<compile_context>
chip_gen: v7x
topology: tpu7x:2x2x1
jax: 0.10.2.dev20260603
libtpu: 0.0.44.dev20260713+nightly
codegen_flags: <defaults>
</compile_context>

<pallas_src>
import functools

import jax
import jax.numpy as jnp
from jax import lax
from jax.experimental import pallas as pl
from jax.experimental.pallas import tpu as pltpu
from jax.experimental.pallas import tpu_sc as plsc

_NC, _NS, _L = 2, 16, 16
_NW = _NC * _NS
_CS = 4


def kernel(x, pos_table):
    S, B, D = x.shape
    rows_per_w = S // _NW
    n_chunks = rows_per_w // _CS
    d_vecs = D // _L

    mesh = plsc.VectorSubcoreMesh(core_axis_name="c", subcore_axis_name="s")

    @functools.partial(
        pl.kernel,
        out_type=jax.ShapeDtypeStruct((S, B, D), x.dtype),
        mesh=mesh,
        scratch_types=[
            pltpu.VMEM((_CS, B, D), jnp.float32),
            pltpu.VMEM((_CS, B, D), jnp.float32),
            pltpu.VMEM((_CS, D), jnp.float32),
            pltpu.VMEM((_CS, D), jnp.float32),
            pltpu.VMEM((_CS, B, D), jnp.float32),
            pltpu.VMEM((_CS, B, D), jnp.float32),
            pltpu.SemaphoreType.DMA,
            pltpu.SemaphoreType.DMA,
            pltpu.SemaphoreType.DMA,
            pltpu.SemaphoreType.DMA,
        ],
    )
    def run(x_hbm, pos_hbm, out_hbm, xv0, xv1, pv0, pv1, ov0, ov1,
            si0, si1, so0, so1):
        wid = lax.axis_index("s") * _NC + lax.axis_index("c")
        base = wid * rows_per_w
        X, P, O = (xv0, xv1), (pv0, pv1), (ov0, ov1)
        SI, SO = (si0, si1), (so0, so1)

        def start_in(k, b):
            row0 = base + k * _CS
            pltpu.async_copy(x_hbm.at[pl.ds(row0, _CS)], X[b], SI[b])
            pltpu.async_copy(pos_hbm.at[pl.ds(row0, _CS)], P[b], SI[b])

        def wait_in(b):
            pltpu.make_async_copy(x_hbm.at[pl.ds(0, _CS)], X[b], SI[b]).wait()
            pltpu.make_async_copy(pos_hbm.at[pl.ds(0, _CS)], P[b], SI[b]).wait()

        def start_out(k, b):
            row0 = base + k * _CS
            pltpu.async_copy(O[b], out_hbm.at[pl.ds(row0, _CS)], SO[b])

        def wait_out(b):
            pltpu.make_async_copy(O[b], out_hbm.at[pl.ds(0, _CS)], SO[b]).wait()

        def compute(b):
            xv, pv, ov = X[b], P[b], O[b]

            @plsc.parallel_loop(0, _CS * d_vecs, unroll=8)
            def _(j):
                sl = j // d_vecs
                off = pl.multiple_of((j % d_vecs) * _L, _L)
                pvec = pv[sl, pl.ds(off, _L)]
                for bb in range(B):
                    ov[sl, bb, pl.ds(off, _L)] = (
                        xv[sl, bb, pl.ds(off, _L)] + pvec
                    )

        start_in(0, 0)
        start_in(1, 1)

        def pair(k2, carry):
            for b in range(2):
                k = 2 * k2 + b
                wait_in(b)

                @pl.when(k >= 2)
                def _():
                    wait_out(b)

                compute(b)
                start_out(k, b)

                @pl.when(k + 2 < n_chunks)
                def _():
                    start_in(k + 2, b)
            return carry

        lax.fori_loop(0, n_chunks // 2, pair, 0)
        wait_out(0)
        wait_out(1)

    return run(x, pos_table[:S])

# --- scband reference (transcript-rebuilt; emitter-appended) ---
"""Pipeline reference for scband-positional-encoding-14834817040864 (READ-ONLY COPY).

The authoritative reference and input builder live on the scoring server;
editing this copy changes nothing except your own understanding.
"""

import jax, jax.numpy as jnp
import numpy as np

S, B, D = 4096, 4, 1024
MAX_LEN = 4096

def setup_inputs(seed: int = 0) -> dict:
    key = jax.random.key(seed)
    k1, k2 = jax.random.split(key)
    x = jax.random.normal(k1, (S, B, D), dtype=jnp.float32)
    # learned positional embedding table (nn.Embedding(max_len, d_model, padding_idx=0))
    pos_table = jax.random.normal(k2, (MAX_LEN, D), dtype=jnp.float32)
    # padding_idx=0 -> row 0 initialized to zeros (and kept at zero during training)
    pos_table = pos_table.at[0].set(0.0)
    return {"x": x, "pos_table": pos_table}

def reference(x, pos_table):
    chunk_size, batch, d_model = x.shape
    # position_ids = arange(chunk_size).unsqueeze(1); embedding lookup -> [S, 1, D]
    position_ids = jnp.arange(chunk_size, dtype=jnp.int32)
    position_enc = jnp.take(pos_table, position_ids, axis=0)[:, None, :]
    # expand to [S, B, D] via broadcasting and add
    out = x + position_enc
    # dropout is identity in eval mode
    return out

if __name__ == "__main__":
    import jax
    _d = setup_inputs()
    print(jax.jit(kernel)(*tuple(_d.values())))

</pallas_src>

<mosaic_0001>
#map = affine_map<(d0, d1) -> (0, 0, 0)>
#map1 = affine_map<(d0, d1) -> (0, 0)>
module attributes {stable_mosaic.version = 14 : i64} {
  func.func @run(%arg0: i32, %arg1: i32, %arg2: memref<4096x4x1024xf32, #tpu.memory_space<hbm>>, %arg3: memref<4096x1024xf32, #tpu.memory_space<hbm>>, %arg4: memref<4096x4x1024xf32, #tpu.memory_space<hbm>>, %arg5: memref<4x4x1024xf32, #tpu.memory_space<vmem>>, %arg6: memref<4x4x1024xf32, #tpu.memory_space<vmem>>, %arg7: memref<4x1024xf32, #tpu.memory_space<vmem>>, %arg8: memref<4x1024xf32, #tpu.memory_space<vmem>>, %arg9: memref<4x4x1024xf32, #tpu.memory_space<vmem>>, %arg10: memref<4x4x1024xf32, #tpu.memory_space<vmem>>, %arg11: memref<!tpu.dma_semaphore, #tpu.memory_space<semaphore_mem>>, %arg12: memref<!tpu.dma_semaphore, #tpu.memory_space<semaphore_mem>>, %arg13: memref<!tpu.dma_semaphore, #tpu.memory_space<semaphore_mem>>, %arg14: memref<!tpu.dma_semaphore, #tpu.memory_space<semaphore_mem>>) attributes {dimension_semantics = [#tpu.dimension_semantics<core_parallel>, #tpu.dimension_semantics<subcore_parallel>], iteration_bounds = array<i64: 2, 16>, scalar_prefetch = 0 : i64, scratch_operands = 10 : i64, tpu.core_type = #tpu.core_type<sc_vector_subcore>, window_params = [{transform_indices = #map}, {transform_indices = #map1}, {transform_indices = #map}]} {
    %mul3A = arith.constant 2 : i32
    %mul3A_0 = arith.muli %arg1, %mul3A : i32
    %add3A = arith.addi %mul3A_0, %arg0 : i32
    %mul3A_1 = arith.constant 128 : i32
    %mul3A_2 = arith.muli %add3A, %mul3A_1 : i32
    %add3A_3 = arith.constant 0 : i32
    %add3A_4 = arith.addi %mul3A_2, %add3A_3 : i32
    %dma_start3A = arith.constant 0 : i32
    %dma_start3A_5 = arith.constant 0 : i32
    %dma_start3A_6 = tpu.memref_slice %arg2[%add3A_4, %dma_start3A, %dma_start3A_5] : memref<4096x4x1024xf32, #tpu.memory_space<hbm>> -> memref<4x4x1024xf32, #tpu.memory_space<hbm>>
    %dma_start3A_7 = arith.constant 0 : i32
    %dma_start3A_8 = arith.constant 0 : i32
    %dma_start3A_9 = tpu.memref_slice %arg2[%add3A_4, %dma_start3A_7, %dma_start3A_8] : memref<4096x4x1024xf32, #tpu.memory_space<hbm>> -> memref<4x4x1024xf32, #tpu.memory_space<hbm>>
    tpu.enqueue_dma source(%dma_start3A_9 : memref<4x4x1024xf32, #tpu.memory_space<hbm>>) target(%arg5 : memref<4x4x1024xf32, #tpu.memory_space<vmem>>) target_semaphore(%arg11 : memref<!tpu.dma_semaphore, #tpu.memory_space<semaphore_mem>>)
    %dma_start3A_10 = arith.constant 0 : i32
    %dma_start3A_11 = tpu.memref_slice %arg3[%add3A_4, %dma_start3A_10] : memref<4096x1024xf32, #tpu.memory_space<hbm>> -> memref<4x1024xf32, #tpu.memory_space<hbm>>
    %dma_start3A_12 = arith.constant 0 : i32
    %dma_start3A_13 = tpu.memref_slice %arg3[%add3A_4, %dma_start3A_12] : memref<4096x1024xf32, #tpu.memory_space<hbm>> -> memref<4x1024xf32, #tpu.memory_space<hbm>>
    tpu.enqueue_dma source(%dma_start3A_13 : memref<4x1024xf32, #tpu.memory_space<hbm>>) target(%arg7 : memref<4x1024xf32, #tpu.memory_space<vmem>>) target_semaphore(%arg11 : memref<!tpu.dma_semaphore, #tpu.memory_space<semaphore_mem>>)
    %add3A_14 = arith.constant 4 : i32
    %add3A_15 = arith.addi %mul3A_2, %add3A_14 : i32
    %dma_start3A_16 = arith.constant 0 : i32
    %dma_start3A_17 = arith.constant 0 : i32
    %dma_start3A_18 = tpu.memref_slice %arg2[%add3A_15, %dma_start3A_16, %dma_start3A_17] : memref<4096x4x1024xf32, #tpu.memory_space<hbm>> -> memref<4x4x1024xf32, #tpu.memory_space<hbm>>
    %dma_start3A_19 = arith.constant 0 : i32
    %dma_start3A_20 = arith.constant 0 : i32
    %dma_start3A_21 = tpu.memref_slice %arg2[%add3A_15, %dma_start3A_19, %dma_start3A_20] : memref<4096x4x1024xf32, #tpu.memory_space<hbm>> -> memref<4x4x1024xf32, #tpu.memory_space<hbm>>
    tpu.enqueue_dma source(%dma_start3A_21 : memref<4x4x1024xf32, #tpu.memory_space<hbm>>) target(%arg6 : memref<4x4x1024xf32, #tpu.memory_space<vmem>>) target_semaphore(%arg12 : memref<!tpu.dma_semaphore, #tpu.memory_space<semaphore_mem>>)
    %dma_start3A_22 = arith.constant 0 : i32
    %dma_start3A_23 = tpu.memref_slice %arg3[%add3A_15, %dma_start3A_22] : memref<4096x1024xf32, #tpu.memory_space<hbm>> -> memref<4x1024xf32, #tpu.memory_space<hbm>>
    %dma_start3A_24 = arith.constant 0 : i32
    %dma_start3A_25 = tpu.memref_slice %arg3[%add3A_15, %dma_start3A_24] : memref<4096x1024xf32, #tpu.memory_space<hbm>> -> memref<4x1024xf32, #tpu.memory_space<hbm>>
    tpu.enqueue_dma source(%dma_start3A_25 : memref<4x1024xf32, #tpu.memory_space<hbm>>) target(%arg8 : memref<4x1024xf32, #tpu.memory_space<vmem>>) target_semaphore(%arg12 : memref<!tpu.dma_semaphore, #tpu.memory_space<semaphore_mem>>)
    %scan3A = arith.constant 0 : i32
    %scan3A_26 = arith.constant 0 : i32
    %scan3A_27 = arith.constant 16 : i32
    %scan3A_28 = arith.addi %scan3A_26, %scan3A_27 : i32
    %scan3A_29 = arith.constant 1 : i32
    scf.for %scan3A_46 = %scan3A_26 to %scan3A_28 step %scan3A_29  : i32 {
      %mul3A_47 = arith.constant 2 : i32
      %mul3A_48 = arith.muli %mul3A_47, %scan3A_46 : i32
      %add3A_49 = arith.constant 0 : i32
      %add3A_50 = arith.addi %mul3A_48, %add3A_49 : i32
      %dma_wait3A_51 = arith.constant 0 : i32
      %dma_wait3A_52 = arith.constant 0 : i32
      %dma_wait3A_53 = arith.constant 0 : i32
      %dma_wait3A_54 = tpu.memref_slice %arg2[%dma_wait3A_51, %dma_wait3A_52, %dma_wait3A_53] : memref<4096x4x1024xf32, #tpu.memory_space<hbm>> -> memref<4x4x1024xf32, #tpu.memory_space<hbm>>
      %dma_wait3A_55 = arith.constant 0 : i32
      %dma_wait3A_56 = arith.constant 0 : i32
      %dma_wait3A_57 = arith.constant 0 : i32
      %dma_wait3A_58 = tpu.memref_slice %arg2[%dma_wait3A_55, %dma_wait3A_56, %dma_wait3A_57] : memref<4096x4x1024xf32, #tpu.memory_space<hbm>> -> memref<4x4x1024xf32, #tpu.memory_space<hbm>>
      tpu.wait_dma2 semaphore(%arg11 : memref<!tpu.dma_semaphore, #tpu.memory_space<semaphore_mem>>) src(%dma_wait3A_58 : memref<4x4x1024xf32, #tpu.memory_space<hbm>>) dst(%arg5 : memref<4x4x1024xf32, #tpu.memory_space<vmem>>)
      %dma_wait3A_59 = arith.constant 0 : i32
      %dma_wait3A_60 = arith.constant 0 : i32
      %dma_wait3A_61 = tpu.memref_slice %arg3[%dma_wait3A_59, %dma_wait3A_60] : memref<4096x1024xf32, #tpu.memory_space<hbm>> -> memref<4x1024xf32, #tpu.memory_space<hbm>>
      %dma_wait3A_62 = arith.constant 0 : i32
      %dma_wait3A_63 = arith.constant 0 : i32
      %dma_wait3A_64 = tpu.memref_slice %arg3[%dma_wait3A_62, %dma_wait3A_63] : memref<4096x1024xf32, #tpu.memory_space<hbm>> -> memref<4x1024xf32, #tpu.memory_space<hbm>>
      tpu.wait_dma2 semaphore(%arg11 : memref<!tpu.dma_semaphore, #tpu.memory_space<semaphore_mem>>) src(%dma_wait3A_64 : memref<4x1024xf32, #tpu.memory_space<hbm>>) dst(%arg7 : memref<4x1024xf32, #tpu.memory_space<vmem>>)
      %ge3A = arith.constant 2 : i32
      %ge3A_65 = arith.cmpi sge, %add3A_50, %ge3A : i32
      %convert_element_type3A = arith.extui %ge3A_65 : i1 to i32
      %cond3A = arith.constant 0 : i32
      %cond3A_66 = arith.cmpi ne, %convert_element_type3A, %cond3A : i32
      scf.if %cond3A_66 {
        %dma_wait3A_126 = arith.constant 0 : i32
        %dma_wait3A_127 = arith.constant 0 : i32
        %dma_wait3A_128 = arith.constant 0 : i32
        %dma_wait3A_129 = tpu.memref_slice %arg4[%dma_wait3A_126, %dma_wait3A_127, %dma_wait3A_128] : memref<4096x4x1024xf32, #tpu.memory_space<hbm>> -> memref<4x4x1024xf32, #tpu.memory_space<hbm>>
        %dma_wait3A_130 = arith.constant 0 : i32
        %dma_wait3A_131 = arith.constant 0 : i32
        %dma_wait3A_132 = arith.constant 0 : i32
        %dma_wait3A_133 = tpu.memref_slice %arg4[%dma_wait3A_130, %dma_wait3A_131, %dma_wait3A_132] : memref<4096x4x1024xf32, #tpu.memory_space<hbm>> -> memref<4x4x1024xf32, #tpu.memory_space<hbm>>
        tpu.wait_dma2 semaphore(%arg13 : memref<!tpu.dma_semaphore, #tpu.memory_space<semaphore_mem>>) src(%arg9 : memref<4x4x1024xf32, #tpu.memory_space<vmem>>) dst(%dma_wait3A_133 : memref<4x4x1024xf32, #tpu.memory_space<hbm>>)
      } else {
      }
      %parallel_loop3A = arith.constant 0 : i32
      %parallel_loop3A_67 = arith.constant 256 : i32
      %parallel_loop3A_68 = arith.constant 1 : i32
      scf.for %parallel_loop3A_126 = %parallel_loop3A to %parallel_loop3A_67 step %parallel_loop3A_68  : i32 {
        %parallel_loop3A_127 = arith.constant 64 : i32
        %parallel_loop3A_128 = arith.divsi %parallel_loop3A_126, %parallel_loop3A_127 : i32
        %parallel_loop3A_129 = arith.constant 0 : i32
        %parallel_loop3A_130 = arith.cmpi sgt, %parallel_loop3A_126, %parallel_loop3A_129 : i32
        %parallel_loop3A_131 = arith.extui %parallel_loop3A_130 : i1 to i32
        %parallel_loop3A_132 = arith.constant 0 : i32
        %parallel_loop3A_133 = arith.cmpi slt, %parallel_loop3A_126, %parallel_loop3A_132 : i32
        %parallel_loop3A_134 = arith.extui %parallel_loop3A_133 : i1 to i32
        %parallel_loop3A_135 = arith.subi %parallel_loop3A_131, %parallel_loop3A_134 : i32
        %parallel_loop3A_136 = arith.constant 0 : i32
        %parallel_loop3A_137 = arith.cmpi sgt, %parallel_loop3A_127, %parallel_loop3A_136 : i32
        %parallel_loop3A_138 = arith.extui %parallel_loop3A_137 : i1 to i32
        %parallel_loop3A_139 = arith.constant 0 : i32
        %parallel_loop3A_140 = arith.cmpi slt, %parallel_loop3A_127, %parallel_loop3A_139 : i32
        %parallel_loop3A_141 = arith.extui %parallel_loop3A_140 : i1 to i32
        %parallel_loop3A_142 = arith.subi %parallel_loop3A_138, %parallel_loop3A_141 : i32
        %parallel_loop3A_143 = arith.cmpi ne, %parallel_loop3A_135, %parallel_loop3A_142 : i32
        %parallel_loop3A_144 = arith.remsi %parallel_loop3A_126, %parallel_loop3A_127 : i32
        %parallel_loop3A_145 = arith.constant 0 : i32
        %parallel_loop3A_146 = arith.cmpi ne, %parallel_loop3A_144, %parallel_loop3A_145 : i32
        %parallel_loop3A_147 = arith.andi %parallel_loop3A_143, %parallel_loop3A_146 : i1
        %parallel_loop3A_148 = arith.constant 1 : i32
        %parallel_loop3A_149 = arith.subi %parallel_loop3A_128, %parallel_loop3A_148 : i32
        %parallel_loop3A_150 = arith.select %parallel_loop3A_147, %parallel_loop3A_149, %parallel_loop3A_128 : i32
        %parallel_loop3A_151 = arith.constant 64 : i32
        %parallel_loop3A_152 = arith.constant 0 : i32
        %parallel_loop3A_153 = arith.cmpi eq, %parallel_loop3A_151, %parallel_loop3A_152 : i32
        %parallel_loop3A_154 = arith.constant 1 : i32
        %parallel_loop3A_155 = arith.select %parallel_loop3A_153, %parallel_loop3A_154, %parallel_loop3A_151 : i32
        %parallel_loop3A_156 = arith.remsi %parallel_loop3A_126, %parallel_loop3A_155 : i32
        %parallel_loop3A_157 = arith.constant 0 : i32
        %parallel_loop3A_158 = arith.cmpi ne, %parallel_loop3A_156, %parallel_loop3A_157 : i32
        %parallel_loop3A_159 = arith.constant 0 : i32
        %parallel_loop3A_160 = arith.cmpi slt, %parallel_loop3A_156, %parallel_loop3A_159 : i32
        %parallel_loop3A_161 = arith.constant 0 : i32
        %parallel_loop3A_162 = arith.cmpi slt, %parallel_loop3A_155, %parallel_loop3A_161 : i32
        %parallel_loop3A_163 = arith.xori %parallel_loop3A_160, %parallel_loop3A_162 : i1
        %parallel_loop3A_164 = arith.andi %parallel_loop3A_163, %parallel_loop3A_158 : i1
        %parallel_loop3A_165 = arith.addi %parallel_loop3A_156, %parallel_loop3A_155 : i32
        %parallel_loop3A_166 = arith.select %parallel_loop3A_164, %parallel_loop3A_165, %parallel_loop3A_156 : i32
        %parallel_loop3A_167 = arith.constant 16 : i32
        %parallel_loop3A_168 = arith.muli %parallel_loop3A_166, %parallel_loop3A_167 : i32
        %parallel_loop3A_169 = tpu.assume_multiple %parallel_loop3A_168, 16 : i32
        %parallel_loop3A_170 = arith.index_cast %parallel_loop3A_150 : i32 to index
        %parallel_loop3A_171 = arith.index_cast %parallel_loop3A_169 : i32 to index
        %parallel_loop3A_172 = tpu.vector_load %arg7[%parallel_loop3A_170, %parallel_loop3A_171] {strides = array<i32>} : memref<4x1024xf32, #tpu.memory_space<vmem>>, vector<1x16xf32>,
        %parallel_loop3A_173 = vector.shape_cast %parallel_loop3A_172 : vector<1x16xf32> to vector<16xf32>
        %parallel_loop3A_174 = arith.constant 0 : i32
        %parallel_loop3A_175 = arith.index_cast %parallel_loop3A_150 : i32 to index
        %parallel_loop3A_176 = arith.index_cast %parallel_loop3A_174 : i32 to index
        %parallel_loop3A_177 = arith.index_cast %parallel_loop3A_169 : i32 to index
        %parallel_loop3A_178 = tpu.vector_load %arg5[%parallel_loop3A_175, %parallel_loop3A_176, %parallel_loop3A_177] {strides = array<i32>} : memref<4x4x1024xf32, #tpu.memory_space<vmem>>, vector<1x1x16xf32>,
        %parallel_loop3A_179 = vector.shape_cast %parallel_loop3A_178 : vector<1x1x16xf32> to vector<16xf32>
        %parallel_loop3A_180 = arith.addf %parallel_loop3A_179, %parallel_loop3A_173 : vector<16xf32>
        %parallel_loop3A_181 = arith.constant 0 : i32
        %parallel_loop3A_182 = arith.index_cast %parallel_loop3A_150 : i32 to index
        %parallel_loop3A_183 = arith.index_cast %parallel_loop3A_181 : i32 to index
        %parallel_loop3A_184 = arith.index_cast %parallel_loop3A_169 : i32 to index
        %parallel_loop3A_185 = tpu.vector_load %arg9[%parallel_loop3A_182, %parallel_loop3A_183, %parallel_loop3A_184] {strides = array<i32>} : memref<4x4x1024xf32, #tpu.memory_space<vmem>>, vector<1x1x16xf32>,
        %parallel_loop3A_186 = vector.shape_cast %parallel_loop3A_185 : vector<1x1x16xf32> to vector<16xf32>
        %parallel_loop3A_187 = vector.shape_cast %parallel_loop3A_180 : vector<16xf32> to vector<1x1x16xf32>
        tpu.vector_store %arg9[%parallel_loop3A_182, %parallel_loop3A_183, %parallel_loop3A_184], %parallel_loop3A_187 {strides = array<i32>} : memref<4x4x1024xf32, #tpu.memory_space<vmem>>, vector<1x1x16xf32>,
        %parallel_loop3A_188 = arith.constant 1 : i32
        %parallel_loop3A_189 = arith.index_cast %parallel_loop3A_150 : i32 to index
        %parallel_loop3A_190 = arith.index_cast %parallel_loop3A_188 : i32 to index
        %parallel_loop3A_191 = arith.index_cast %parallel_loop3A_169 : i32 to index
        %parallel_loop3A_192 = tpu.vector_load %arg5[%parallel_loop3A_189, %parallel_loop3A_190, %parallel_loop3A_191] {strides = array<i32>} : memref<4x4x1024xf32, #tpu.memory_space<vmem>>, vector<1x1x16xf32>,
        %parallel_loop3A_193 = vector.shape_cast %parallel_loop3A_192 : vector<1x1x16xf32> to vector<16xf32>
        %parallel_loop3A_194 = arith.addf %parallel_loop3A_193, %parallel_loop3A_173 : vector<16xf32>
        %parallel_loop3A_195 = arith.constant 1 : i32
        %parallel_loop3A_196 = arith.index_cast %parallel_loop3A_150 : i32 to index
        %parallel_loop3A_197 = arith.index_cast %parallel_loop3A_195 : i32 to index
        %parallel_loop3A_198 = arith.index_cast %parallel_loop3A_169 : i32 to index
        %parallel_loop3A_199 = tpu.vector_load %arg9[%parallel_loop3A_196, %parallel_loop3A_197, %parallel_loop3A_198] {strides = array<i32>} : memref<4x4x1024xf32, #tpu.memory_space<vmem>>, vector<1x1x16xf32>,
        %parallel_loop3A_200 = vector.shape_cast %parallel_loop3A_199 : vector<1x1x16xf32> to vector<16xf32>
        %parallel_loop3A_201 = vector.shape_cast %parallel_loop3A_194 : vector<16xf32> to vector<1x1x16xf32>
        tpu.vector_store %arg9[%parallel_loop3A_196, %parallel_loop3A_197, %parallel_loop3A_198], %parallel_loop3A_201 {strides = array<i32>} : memref<4x4x1024xf32, #tpu.memory_space<vmem>>, vector<1x1x16xf32>,
        %parallel_loop3A_202 = arith.constant 2 : i32
        %parallel_loop3A_203 = arith.index_cast %parallel_loop3A_150 : i32 to index
        %parallel_loop3A_204 = arith.index_cast %parallel_loop3A_202 : i32 to index
        %parallel_loop3A_205 = arith.index_cast %parallel_loop3A_169 : i32 to index
        %parallel_loop3A_206 = tpu.vector_load %arg5[%parallel_loop3A_203, %parallel_loop3A_204, %parallel_loop3A_205] {strides = array<i32>} : memref<4x4x1024xf32, #tpu.memory_space<vmem>>, vector<1x1x16xf32>,
        %parallel_loop3A_207 = vector.shape_cast %parallel_loop3A_206 : vector<1x1x16xf32> to vector<16xf32>
        %parallel_loop3A_208 = arith.addf %parallel_loop3A_207, %parallel_loop3A_173 : vector<16xf32>
        %parallel_loop3A_209 = arith.constant 2 : i32
        %parallel_loop3A_210 = arith.index_cast %parallel_loop3A_150 : i32 to index
        %parallel_loop3A_211 = arith.index_cast %parallel_loop3A_209 : i32 to index
        %parallel_loop3A_212 = arith.index_cast %parallel_loop3A_169 : i32 to index
        %parallel_loop3A_213 = tpu.vector_load %arg9[%parallel_loop3A_210, %parallel_loop3A_211, %parallel_loop3A_212] {strides = array<i32>} : memref<4x4x1024xf32, #tpu.memory_space<vmem>>, vector<1x1x16xf32>,
        %parallel_loop3A_214 = vector.shape_cast %parallel_loop3A_213 : vector<1x1x16xf32> to vector<16xf32>
        %parallel_loop3A_215 = vector.shape_cast %parallel_loop3A_208 : vector<16xf32> to vector<1x1x16xf32>
        tpu.vector_store %arg9[%parallel_loop3A_210, %parallel_loop3A_211, %parallel_loop3A_212], %parallel_loop3A_215 {strides = array<i32>} : memref<4x4x1024xf32, #tpu.memory_space<vmem>>, vector<1x1x16xf32>,
        %parallel_loop3A_216 = arith.constant 3 : i32
        %parallel_loop3A_217 = arith.index_cast %parallel_loop3A_150 : i32 to index
        %parallel_loop3A_218 = arith.index_cast %parallel_loop3A_216 : i32 to index
        %parallel_loop3A_219 = arith.index_cast %parallel_loop3A_169 : i32 to index
        %parallel_loop3A_220 = tpu.vector_load %arg5[%parallel_loop3A_217, %parallel_loop3A_218, %parallel_loop3A_219] {strides = array<i32>} : memref<4x4x1024xf32, #tpu.memory_space<vmem>>, vector<1x1x16xf32>,
        %parallel_loop3A_221 = vector.shape_cast %parallel_loop3A_220 : vector<1x1x16xf32> to vector<16xf32>
        %parallel_loop3A_222 = arith.addf %parallel_loop3A_221, %parallel_loop3A_173 : vector<16xf32>
        %parallel_loop3A_223 = arith.constant 3 : i32
        %parallel_loop3A_224 = arith.index_cast %parallel_loop3A_150 : i32 to index
        %parallel_loop3A_225 = arith.index_cast %parallel_loop3A_223 : i32 to index
        %parallel_loop3A_226 = arith.index_cast %parallel_loop3A_169 : i32 to index
        %parallel_loop3A_227 = tpu.vector_load %arg9[%parallel_loop3A_224, %parallel_loop3A_225, %parallel_loop3A_226] {strides = array<i32>} : memref<4x4x1024xf32, #tpu.memory_space<vmem>>, vector<1x1x16xf32>,
        %parallel_loop3A_228 = vector.shape_cast %parallel_loop3A_227 : vector<1x1x16xf32> to vector<16xf32>
        %parallel_loop3A_229 = vector.shape_cast %parallel_loop3A_222 : vector<16xf32> to vector<1x1x16xf32>
        tpu.vector_store %arg9[%parallel_loop3A_224, %parallel_loop3A_225, %parallel_loop3A_226], %parallel_loop3A_229 {strides = array<i32>} : memref<4x4x1024xf32, #tpu.memory_space<vmem>>, vector<1x1x16xf32>,
      } {sc.loop_unroll_factor = 8 : i64, sc.parallel_access}
      %mul3A_69 = arith.constant 4 : i32
      %mul3A_70 = arith.muli %add3A_50, %mul3A_69 : i32
      %add3A_71 = arith.addi %mul3A_2, %mul3A_70 : i32
      %dma_start3A_72 = arith.constant 0 : i32
      %dma_start3A_73 = arith.constant 0 : i32
      %dma_start3A_74 = tpu.memref_slice %arg4[%add3A_71, %dma_start3A_72, %dma_start3A_73] : memref<4096x4x1024xf32, #tpu.memory_space<hbm>> -> memref<4x4x1024xf32, #tpu.memory_space<hbm>>
      %dma_start3A_75 = arith.constant 0 : i32
      %dma_start3A_76 = arith.constant 0 : i32
      %dma_start3A_77 = tpu.memref_slice %arg4[%add3A_71, %dma_start3A_75, %dma_start3A_76] : memref<4096x4x1024xf32, #tpu.memory_space<hbm>> -> memref<4x4x1024xf32, #tpu.memory_space<hbm>>
      tpu.enqueue_dma source(%arg9 : memref<4x4x1024xf32, #tpu.memory_space<vmem>>) target(%dma_start3A_77 : memref<4x4x1024xf32, #tpu.memory_space<hbm>>) target_semaphore(%arg13 : memref<!tpu.dma_semaphore, #tpu.memory_space<semaphore_mem>>)
      %add3A_78 = arith.constant 2 : i32
      %add3A_79 = arith.addi %add3A_50, %add3A_78 : i32
      %lt3A = arith.constant 32 : i32
      %lt3A_80 = arith.cmpi slt, %add3A_79, %lt3A : i32
      %convert_element_type3A_81 = arith.extui %lt3A_80 : i1 to i32
      %cond3A_82 = arith.constant 0 : i32
      %cond3A_83 = arith.cmpi ne, %convert_element_type3A_81, %cond3A_82 : i32
      scf.if %cond3A_83 {
        %add3A_126 = arith.constant 2 : i32
        %add3A_127 = arith.addi %add3A_50, %add3A_126 : i32
        %mul3A_128 = arith.constant 4 : i32
        %mul3A_129 = arith.muli %add3A_127, %mul3A_128 : i32
        %add3A_130 = arith.addi %mul3A_2, %mul3A_129 : i32
        %dma_start3A_131 = arith.constant 0 : i32
        %dma_start3A_132 = arith.constant 0 : i32
        %dma_start3A_133 = tpu.memref_slice %arg2[%add3A_130, %dma_start3A_131, %dma_start3A_132] : memref<4096x4x1024xf32, #tpu.memory_space<hbm>> -> memref<4x4x1024xf32, #tpu.memory_space<hbm>>
        %dma_start3A_134 = arith.constant 0 : i32
        %dma_start3A_135 = arith.constant 0 : i32
        %dma_start3A_136 = tpu.memref_slice %arg2[%add3A_130, %dma_start3A_134, %dma_start3A_135] : memref<4096x4x1024xf32, #tpu.memory_space<hbm>> -> memref<4x4x1024xf32, #tpu.memory_space<hbm>>
        tpu.enqueue_dma source(%dma_start3A_136 : memref<4x4x1024xf32, #tpu.memory_space<hbm>>) target(%arg5 : memref<4x4x1024xf32, #tpu.memory_space<vmem>>) target_semaphore(%arg11 : memref<!tpu.dma_semaphore, #tpu.memory_space<semaphore_mem>>)
        %dma_start3A_137 = arith.constant 0 : i32
        %dma_start3A_138 = tpu.memref_slice %arg3[%add3A_130, %dma_start3A_137] : memref<4096x1024xf32, #tpu.memory_space<hbm>> -> memref<4x1024xf32, #tpu.memory_space<hbm>>
        %dma_start3A_139 = arith.constant 0 : i32
        %dma_start3A_140 = tpu.memref_slice %arg3[%add3A_130, %dma_start3A_139] : memref<4096x1024xf32, #tpu.memory_space<hbm>> -> memref<4x1024xf32, #tpu.memory_space<hbm>>
        tpu.enqueue_dma source(%dma_start3A_140 : memref<4x1024xf32, #tpu.memory_space<hbm>>) target(%arg7 : memref<4x1024xf32, #tpu.memory_space<vmem>>) target_semaphore(%arg11 : memref<!tpu.dma_semaphore, #tpu.memory_space<semaphore_mem>>)
      } else {
      }
      %mul3A_84 = arith.constant 2 : i32
      %mul3A_85 = arith.muli %mul3A_84, %scan3A_46 : i32
      %add3A_86 = arith.constant 1 : i32
      %add3A_87 = arith.addi %mul3A_85, %add3A_86 : i32
      %dma_wait3A_88 = arith.constant 0 : i32
      %dma_wait3A_89 = arith.constant 0 : i32
      %dma_wait3A_90 = arith.constant 0 : i32
      %dma_wait3A_91 = tpu.memref_slice %arg2[%dma_wait3A_88, %dma_wait3A_89, %dma_wait3A_90] : memref<4096x4x1024xf32, #tpu.memory_space<hbm>> -> memref<4x4x1024xf32, #tpu.memory_space<hbm>>
      %dma_wait3A_92 = arith.constant 0 : i32
      %dma_wait3A_93 = arith.constant 0 : i32
      %dma_wait3A_94 = arith.constant 0 : i32
      %dma_wait3A_95 = tpu.memref_slice %arg2[%dma_wait3A_92, %dma_wait3A_93, %dma_wait3A_94] : memref<4096x4x1024xf32, #tpu.memory_space<hbm>> -> memref<4x4x1024xf32, #tpu.memory_space<hbm>>
      tpu.wait_dma2 semaphore(%arg12 : memref<!tpu.dma_semaphore, #tpu.memory_space<semaphore_mem>>) src(%dma_wait3A_95 : memref<4x4x1024xf32, #tpu.memory_space<hbm>>) dst(%arg6 : memref<4x4x1024xf32, #tpu.memory_space<vmem>>)
      %dma_wait3A_96 = arith.constant 0 : i32
      %dma_wait3A_97 = arith.constant 0 : i32
      %dma_wait3A_98 = tpu.memref_slice %arg3[%dma_wait3A_96, %dma_wait3A_97] : memref<4096x1024xf32, #tpu.memory_space<hbm>> -> memref<4x1024xf32, #tpu.memory_space<hbm>>
      %dma_wait3A_99 = arith.constant 0 : i32
      %dma_wait3A_100 = arith.constant 0 : i32
      %dma_wait3A_101 = tpu.memref_slice %arg3[%dma_wait3A_99, %dma_wait3A_100] : memref<4096x1024xf32, #tpu.memory_space<hbm>> -> memref<4x1024xf32, #tpu.memory_space<hbm>>
      tpu.wait_dma2 semaphore(%arg12 : memref<!tpu.dma_semaphore, #tpu.memory_space<semaphore_mem>>) src(%dma_wait3A_101 : memref<4x1024xf32, #tpu.memory_space<hbm>>) dst(%arg8 : memref<4x1024xf32, #tpu.memory_space<vmem>>)
      %ge3A_102 = arith.constant 2 : i32
      %ge3A_103 = arith.cmpi sge, %add3A_87, %ge3A_102 : i32
      %convert_element_type3A_104 = arith.extui %ge3A_103 : i1 to i32
      %cond3A_105 = arith.constant 0 : i32
      %cond3A_106 = arith.cmpi ne, %convert_element_type3A_104, %cond3A_105 : i32
      scf.if %cond3A_106 {
        %dma_wait3A_126 = arith.constant 0 : i32
        %dma_wait3A_127 = arith.constant 0 : i32
        %dma_wait3A_128 = arith.constant 0 : i32
        %dma_wait3A_129 = tpu.memref_slice %arg4[%dma_wait3A_126, %dma_wait3A_127, %dma_wait3A_128] : memref<4096x4x1024xf32, #tpu.memory_space<hbm>> -> memref<4x4x1024xf32, #tpu.memory_space<hbm>>
        %dma_wait3A_130 = arith.constant 0 : i32
        %dma_wait3A_131 = arith.constant 0 : i32
        %dma_wait3A_132 = arith.constant 0 : i32
        %dma_wait3A_133 = tpu.memref_slice %arg4[%dma_wait3A_130, %dma_wait3A_131, %dma_wait3A_132] : memref<4096x4x1024xf32, #tpu.memory_space<hbm>> -> memref<4x4x1024xf32, #tpu.memory_space<hbm>>
        tpu.wait_dma2 semaphore(%arg14 : memref<!tpu.dma_semaphore, #tpu.memory_space<semaphore_mem>>) src(%arg10 : memref<4x4x1024xf32, #tpu.memory_space<vmem>>) dst(%dma_wait3A_133 : memref<4x4x1024xf32, #tpu.memory_space<hbm>>)
      } else {
      }
      %parallel_loop3A_107 = arith.constant 0 : i32
      %parallel_loop3A_108 = arith.constant 256 : i32
      %parallel_loop3A_109 = arith.constant 1 : i32
      scf.for %parallel_loop3A_126 = %parallel_loop3A_107 to %parallel_loop3A_108 step %parallel_loop3A_109  : i32 {
        %parallel_loop3A_127 = arith.constant 64 : i32
        %parallel_loop3A_128 = arith.divsi %parallel_loop3A_126, %parallel_loop3A_127 : i32
        %parallel_loop3A_129 = arith.constant 0 : i32
        %parallel_loop3A_130 = arith.cmpi sgt, %parallel_loop3A_126, %parallel_loop3A_129 : i32
        %parallel_loop3A_131 = arith.extui %parallel_loop3A_130 : i1 to i32
        %parallel_loop3A_132 = arith.constant 0 : i32
        %parallel_loop3A_133 = arith.cmpi slt, %parallel_loop3A_126, %parallel_loop3A_132 : i32
        %parallel_loop3A_134 = arith.extui %parallel_loop3A_133 : i1 to i32
        %parallel_loop3A_135 = arith.subi %parallel_loop3A_131, %parallel_loop3A_134 : i32
        %parallel_loop3A_136 = arith.constant 0 : i32
        %parallel_loop3A_137 = arith.cmpi sgt, %parallel_loop3A_127, %parallel_loop3A_136 : i32
        %parallel_loop3A_138 = arith.extui %parallel_loop3A_137 : i1 to i32
        %parallel_loop3A_139 = arith.constant 0 : i32
        %parallel_loop3A_140 = arith.cmpi slt, %parallel_loop3A_127, %parallel_loop3A_139 : i32
        %parallel_loop3A_141 = arith.extui %parallel_loop3A_140 : i1 to i32
        %parallel_loop3A_142 = arith.subi %parallel_loop3A_138, %parallel_loop3A_141 : i32
        %parallel_loop3A_143 = arith.cmpi ne, %parallel_loop3A_135, %parallel_loop3A_142 : i32
        %parallel_loop3A_144 = arith.remsi %parallel_loop3A_126, %parallel_loop3A_127 : i32
        %parallel_loop3A_145 = arith.constant 0 : i32
        %parallel_loop3A_146 = arith.cmpi ne, %parallel_loop3A_144, %parallel_loop3A_145 : i32
        %parallel_loop3A_147 = arith.andi %parallel_loop3A_143, %parallel_loop3A_146 : i1
        %parallel_loop3A_148 = arith.constant 1 : i32
        %parallel_loop3A_149 = arith.subi %parallel_loop3A_128, %parallel_loop3A_148 : i32
        %parallel_loop3A_150 = arith.select %parallel_loop3A_147, %parallel_loop3A_149, %parallel_loop3A_128 : i32
        %parallel_loop3A_151 = arith.constant 64 : i32
        %parallel_loop3A_152 = arith.constant 0 : i32
        %parallel_loop3A_153 = arith.cmpi eq, %parallel_loop3A_151, %parallel_loop3A_152 : i32
        %parallel_loop3A_154 = arith.constant 1 : i32
        %parallel_loop3A_155 = arith.select %parallel_loop3A_153, %parallel_loop3A_154, %parallel_loop3A_151 : i32
        %parallel_loop3A_156 = arith.remsi %parallel_loop3A_126, %parallel_loop3A_155 : i32
        %parallel_loop3A_157 = arith.constant 0 : i32
        %parallel_loop3A_158 = arith.cmpi ne, %parallel_loop3A_156, %parallel_loop3A_157 : i32
        %parallel_loop3A_159 = arith.constant 0 : i32
        %parallel_loop3A_160 = arith.cmpi slt, %parallel_loop3A_156, %parallel_loop3A_159 : i32
        %parallel_loop3A_161 = arith.constant 0 : i32
        %parallel_loop3A_162 = arith.cmpi slt, %parallel_loop3A_155, %parallel_loop3A_161 : i32
        %parallel_loop3A_163 = arith.xori %parallel_loop3A_160, %parallel_loop3A_162 : i1
        %parallel_loop3A_164 = arith.andi %parallel_loop3A_163, %parallel_loop3A_158 : i1
        %parallel_loop3A_165 = arith.addi %parallel_loop3A_156, %parallel_loop3A_155 : i32
        %parallel_loop3A_166 = arith.select %parallel_loop3A_164, %parallel_loop3A_165, %parallel_loop3A_156 : i32
        %parallel_loop3A_167 = arith.constant 16 : i32
        %parallel_loop3A_168 = arith.muli %parallel_loop3A_166, %parallel_loop3A_167 : i32
        %parallel_loop3A_169 = tpu.assume_multiple %parallel_loop3A_168, 16 : i32
        %parallel_loop3A_170 = arith.index_cast %parallel_loop3A_150 : i32 to index
        %parallel_loop3A_171 = arith.index_cast %parallel_loop3A_169 : i32 to index
        %parallel_loop3A_172 = tpu.vector_load %arg8[%parallel_loop3A_170, %parallel_loop3A_171] {strides = array<i32>} : memref<4x1024xf32, #tpu.memory_space<vmem>>, vector<1x16xf32>,
        %parallel_loop3A_173 = vector.shape_cast %parallel_loop3A_172 : vector<1x16xf32> to vector<16xf32>
        %parallel_loop3A_174 = arith.constant 0 : i32
        %parallel_loop3A_175 = arith.index_cast %parallel_loop3A_150 : i32 to index
        %parallel_loop3A_176 = arith.index_cast %parallel_loop3A_174 : i32 to index
        %parallel_loop3A_177 = arith.index_cast %parallel_loop3A_169 : i32 to index
        %parallel_loop3A_178 = tpu.vector_load %arg6[%parallel_loop3A_175, %parallel_loop3A_176, %parallel_loop3A_177] {strides = array<i32>} : memref<4x4x1024xf32, #tpu.memory_space<vmem>>, vector<1x1x16xf32>,
        %parallel_loop3A_179 = vector.shape_cast %parallel_loop3A_178 : vector<1x1x16xf32> to vector<16xf32>
        %parallel_loop3A_180 = arith.addf %parallel_loop3A_179, %parallel_loop3A_173 : vector<16xf32>
        %parallel_loop3A_181 = arith.constant 0 : i32
        %parallel_loop3A_182 = arith.index_cast %parallel_loop3A_150 : i32 to index
        %parallel_loop3A_183 = arith.index_cast %parallel_loop3A_181 : i32 to index
        %parallel_loop3A_184 = arith.index_cast %parallel_loop3A_169 : i32 to index
        %parallel_loop3A_185 = tpu.vector_load %arg10[%parallel_loop3A_182, %parallel_loop3A_183, %parallel_loop3A_184] {strides = array<i32>} : memref<4x4x1024xf32, #tpu.memory_space<vmem>>, vector<1x1x16xf32>,
        %parallel_loop3A_186 = vector.shape_cast %parallel_loop3A_185 : vector<1x1x16xf32> to vector<16xf32>
        %parallel_loop3A_187 = vector.shape_cast %parallel_loop3A_180 : vector<16xf32> to vector<1x1x16xf32>
        tpu.vector_store %arg10[%parallel_loop3A_182, %parallel_loop3A_183, %parallel_loop3A_184], %parallel_loop3A_187 {strides = array<i32>} : memref<4x4x1024xf32, #tpu.memory_space<vmem>>, vector<1x1x16xf32>,
        %parallel_loop3A_188 = arith.constant 1 : i32
        %parallel_loop3A_189 = arith.index_cast %parallel_loop3A_150 : i32 to index
        %parallel_loop3A_190 = arith.index_cast %parallel_loop3A_188 : i32 to index
        %parallel_loop3A_191 = arith.index_cast %parallel_loop3A_169 : i32 to index
        %parallel_loop3A_192 = tpu.vector_load %arg6[%parallel_loop3A_189, %parallel_loop3A_190, %parallel_loop3A_191] {strides = array<i32>} : memref<4x4x1024xf32, #tpu.memory_space<vmem>>, vector<1x1x16xf32>,
        %parallel_loop3A_193 = vector.shape_cast %parallel_loop3A_192 : vector<1x1x16xf32> to vector<16xf32>
        %parallel_loop3A_194 = arith.addf %parallel_loop3A_193, %parallel_loop3A_173 : vector<16xf32>
        %parallel_loop3A_195 = arith.constant 1 : i32
        %parallel_loop3A_196 = arith.index_cast %parallel_loop3A_150 : i32 to index
        %parallel_loop3A_197 = arith.index_cast %parallel_loop3A_195 : i32 to index
        %parallel_loop3A_198 = arith.index_cast %parallel_loop3A_169 : i32 to index
        %parallel_loop3A_199 = tpu.vector_load %arg10[%parallel_loop3A_196, %parallel_loop3A_197, %parallel_loop3A_198] {strides = array<i32>} : memref<4x4x1024xf32, #tpu.memory_space<vmem>>, vector<1x1x16xf32>,
        %parallel_loop3A_200 = vector.shape_cast %parallel_loop3A_199 : vector<1x1x16xf32> to vector<16xf32>
        %parallel_loop3A_201 = vector.shape_cast %parallel_loop3A_194 : vector<16xf32> to vector<1x1x16xf32>
        tpu.vector_store %arg10[%parallel_loop3A_196, %parallel_loop3A_197, %parallel_loop3A_198], %parallel_loop3A_201 {strides = array<i32>} : memref<4x4x1024xf32, #tpu.memory_space<vmem>>, vector<1x1x16xf32>,
        %parallel_loop3A_202 = arith.constant 2 : i32
        %parallel_loop3A_203 = arith.index_cast %parallel_loop3A_150 : i32 to index
        %parallel_loop3A_204 = arith.index_cast %parallel_loop3A_202 : i32 to index
        %parallel_loop3A_205 = arith.index_cast %parallel_loop3A_169 : i32 to index
        %parallel_loop3A_206 = tpu.vector_load %arg6[%parallel_loop3A_203, %parallel_loop3A_204, %parallel_loop3A_205] {strides = array<i32>} : memref<4x4x1024xf32, #tpu.memory_space<vmem>>, vector<1x1x16xf32>,
        %parallel_loop3A_207 = vector.shape_cast %parallel_loop3A_206 : vector<1x1x16xf32> to vector<16xf32>
        %parallel_loop3A_208 = arith.addf %parallel_loop3A_207, %parallel_loop3A_173 : vector<16xf32>
        %parallel_loop3A_209 = arith.constant 2 : i32
        %parallel_loop3A_210 = arith.index_cast %parallel_loop3A_150 : i32 to index
        %parallel_loop3A_211 = arith.index_cast %parallel_loop3A_209 : i32 to index
        %parallel_loop3A_212 = arith.index_cast %parallel_loop3A_169 : i32 to index
        %parallel_loop3A_213 = tpu.vector_load %arg10[%parallel_loop3A_210, %parallel_loop3A_211, %parallel_loop3A_212] {strides = array<i32>} : memref<4x4x1024xf32, #tpu.memory_space<vmem>>, vector<1x1x16xf32>,
        %parallel_loop3A_214 = vector.shape_cast %parallel_loop3A_213 : vector<1x1x16xf32> to vector<16xf32>
        %parallel_loop3A_215 = vector.shape_cast %parallel_loop3A_208 : vector<16xf32> to vector<1x1x16xf32>
        tpu.vector_store %arg10[%parallel_loop3A_210, %parallel_loop3A_211, %parallel_loop3A_212], %parallel_loop3A_215 {strides = array<i32>} : memref<4x4x1024xf32, #tpu.memory_space<vmem>>, vector<1x1x16xf32>,
        %parallel_loop3A_216 = arith.constant 3 : i32
        %parallel_loop3A_217 = arith.index_cast %parallel_loop3A_150 : i32 to index
        %parallel_loop3A_218 = arith.index_cast %parallel_loop3A_216 : i32 to index
        %parallel_loop3A_219 = arith.index_cast %parallel_loop3A_169 : i32 to index
        %parallel_loop3A_220 = tpu.vector_load %arg6[%parallel_loop3A_217, %parallel_loop3A_218, %parallel_loop3A_219] {strides = array<i32>} : memref<4x4x1024xf32, #tpu.memory_space<vmem>>, vector<1x1x16xf32>,
        %parallel_loop3A_221 = vector.shape_cast %parallel_loop3A_220 : vector<1x1x16xf32> to vector<16xf32>
        %parallel_loop3A_222 = arith.addf %parallel_loop3A_221, %parallel_loop3A_173 : vector<16xf32>
        %parallel_loop3A_223 = arith.constant 3 : i32
        %parallel_loop3A_224 = arith.index_cast %parallel_loop3A_150 : i32 to index
        %parallel_loop3A_225 = arith.index_cast %parallel_loop3A_223 : i32 to index
        %parallel_loop3A_226 = arith.index_cast %parallel_loop3A_169 : i32 to index
        %parallel_loop3A_227 = tpu.vector_load %arg10[%parallel_loop3A_224, %parallel_loop3A_225, %parallel_loop3A_226] {strides = array<i32>} : memref<4x4x1024xf32, #tpu.memory_space<vmem>>, vector<1x1x16xf32>,
        %parallel_loop3A_228 = vector.shape_cast %parallel_loop3A_227 : vector<1x1x16xf32> to vector<16xf32>
        %parallel_loop3A_229 = vector.shape_cast %parallel_loop3A_222 : vector<16xf32> to vector<1x1x16xf32>
        tpu.vector_store %arg10[%parallel_loop3A_224, %parallel_loop3A_225, %parallel_loop3A_226], %parallel_loop3A_229 {strides = array<i32>} : memref<4x4x1024xf32, #tpu.memory_space<vmem>>, vector<1x1x16xf32>,
      } {sc.loop_unroll_factor = 8 : i64, sc.parallel_access}
      %mul3A_110 = arith.constant 4 : i32
      %mul3A_111 = arith.muli %add3A_87, %mul3A_110 : i32
      %add3A_112 = arith.addi %mul3A_2, %mul3A_111 : i32
      %dma_start3A_113 = arith.constant 0 : i32
      %dma_start3A_114 = arith.constant 0 : i32
      %dma_start3A_115 = tpu.memref_slice %arg4[%add3A_112, %dma_start3A_113, %dma_start3A_114] : memref<4096x4x1024xf32, #tpu.memory_space<hbm>> -> memref<4x4x1024xf32, #tpu.memory_space<hbm>>
      %dma_start3A_116 = arith.constant 0 : i32
      %dma_start3A_117 = arith.constant 0 : i32
      %dma_start3A_118 = tpu.memref_slice %arg4[%add3A_112, %dma_start3A_116, %dma_start3A_117] : memref<4096x4x1024xf32, #tpu.memory_space<hbm>> -> memref<4x4x1024xf32, #tpu.memory_space<hbm>>
      tpu.enqueue_dma source(%arg10 : memref<4x4x1024xf32, #tpu.memory_space<vmem>>) target(%dma_start3A_118 : memref<4x4x1024xf32, #tpu.memory_space<hbm>>) target_semaphore(%arg14 : memref<!tpu.dma_semaphore, #tpu.memory_space<semaphore_mem>>)
      %add3A_119 = arith.constant 2 : i32
      %add3A_120 = arith.addi %add3A_87, %add3A_119 : i32
      %lt3A_121 = arith.constant 32 : i32
      %lt3A_122 = arith.cmpi slt, %add3A_120, %lt3A_121 : i32
      %convert_element_type3A_123 = arith.extui %lt3A_122 : i1 to i32
      %cond3A_124 = arith.constant 0 : i32
      %cond3A_125 = arith.cmpi ne, %convert_element_type3A_123, %cond3A_124 : i32
      scf.if %cond3A_125 {
        %add3A_126 = arith.constant 2 : i32
        %add3A_127 = arith.addi %add3A_87, %add3A_126 : i32
        %mul3A_128 = arith.constant 4 : i32
        %mul3A_129 = arith.muli %add3A_127, %mul3A_128 : i32
        %add3A_130 = arith.addi %mul3A_2, %mul3A_129 : i32
        %dma_start3A_131 = arith.constant 0 : i32
        %dma_start3A_132 = arith.constant 0 : i32
        %dma_start3A_133 = tpu.memref_slice %arg2[%add3A_130, %dma_start3A_131, %dma_start3A_132] : memref<4096x4x1024xf32, #tpu.memory_space<hbm>> -> memref<4x4x1024xf32, #tpu.memory_space<hbm>>
        %dma_start3A_134 = arith.constant 0 : i32
        %dma_start3A_135 = arith.constant 0 : i32
        %dma_start3A_136 = tpu.memref_slice %arg2[%add3A_130, %dma_start3A_134, %dma_start3A_135] : memref<4096x4x1024xf32, #tpu.memory_space<hbm>> -> memref<4x4x1024xf32, #tpu.memory_space<hbm>>
        tpu.enqueue_dma source(%dma_start3A_136 : memref<4x4x1024xf32, #tpu.memory_space<hbm>>) target(%arg6 : memref<4x4x1024xf32, #tpu.memory_space<vmem>>) target_semaphore(%arg12 : memref<!tpu.dma_semaphore, #tpu.memory_space<semaphore_mem>>)
        %dma_start3A_137 = arith.constant 0 : i32
        %dma_start3A_138 = tpu.memref_slice %arg3[%add3A_130, %dma_start3A_137] : memref<4096x1024xf32, #tpu.memory_space<hbm>> -> memref<4x1024xf32, #tpu.memory_space<hbm>>
        %dma_start3A_139 = arith.constant 0 : i32
        %dma_start3A_140 = tpu.memref_slice %arg3[%add3A_130, %dma_start3A_139] : memref<4096x1024xf32, #tpu.memory_space<hbm>> -> memref<4x1024xf32, #tpu.memory_space<hbm>>
        tpu.enqueue_dma source(%dma_start3A_140 : memref<4x1024xf32, #tpu.memory_space<hbm>>) target(%arg8 : memref<4x1024xf32, #tpu.memory_space<vmem>>) target_semaphore(%arg12 : memref<!tpu.dma_semaphore, #tpu.memory_space<semaphore_mem>>)
      } else {
      }
    }
    %scan3A_30 = arith.constant 16 : i32
    %dma_wait3A = arith.constant 0 : i32
    %dma_wait3A_31 = arith.constant 0 : i32
    %dma_wait3A_32 = arith.constant 0 : i32
    %dma_wait3A_33 = tpu.memref_slice %arg4[%dma_wait3A, %dma_wait3A_31, %dma_wait3A_32] : memref<4096x4x1024xf32, #tpu.memory_space<hbm>> -> memref<4x4x1024xf32, #tpu.memory_space<hbm>>
    %dma_wait3A_34 = arith.constant 0 : i32
    %dma_wait3A_35 = arith.constant 0 : i32
    %dma_wait3A_36 = arith.constant 0 : i32
    %dma_wait3A_37 = tpu.memref_slice %arg4[%dma_wait3A_34, %dma_wait3A_35, %dma_wait3A_36] : memref<4096x4x1024xf32, #tpu.memory_space<hbm>> -> memref<4x4x1024xf32, #tpu.memory_space<hbm>>
    tpu.wait_dma2 semaphore(%arg13 : memref<!tpu.dma_semaphore, #tpu.memory_space<semaphore_mem>>) src(%arg9 : memref<4x4x1024xf32, #tpu.memory_space<vmem>>) dst(%dma_wait3A_37 : memref<4x4x1024xf32, #tpu.memory_space<hbm>>)
    %dma_wait3A_38 = arith.constant 0 : i32
    %dma_wait3A_39 = arith.constant 0 : i32
    %dma_wait3A_40 = arith.constant 0 : i32
    %dma_wait3A_41 = tpu.memref_slice %arg4[%dma_wait3A_38, %dma_wait3A_39, %dma_wait3A_40] : memref<4096x4x1024xf32, #tpu.memory_space<hbm>> -> memref<4x4x1024xf32, #tpu.memory_space<hbm>>
    %dma_wait3A_42 = arith.constant 0 : i32
    %dma_wait3A_43 = arith.constant 0 : i32
    %dma_wait3A_44 = arith.constant 0 : i32
    %dma_wait3A_45 = tpu.memref_slice %arg4[%dma_wait3A_42, %dma_wait3A_43, %dma_wait3A_44] : memref<4096x4x1024xf32, #tpu.memory_space<hbm>> -> memref<4x4x1024xf32, #tpu.memory_space<hbm>>
    tpu.wait_dma2 semaphore(%arg14 : memref<!tpu.dma_semaphore, #tpu.memory_space<semaphore_mem>>) src(%arg10 : memref<4x4x1024xf32, #tpu.memory_space<vmem>>) dst(%dma_wait3A_45 : memref<4x4x1024xf32, #tpu.memory_space<hbm>>)
    return
  }
}

</mosaic_0001>

<sc_bundles>
// kernel: kernel.3.cloned.1.call-start
scs
__scs_entry_jumppad:
0x0: {  	(pc) =	sbr.rel $0x88, $3  }
0x1: {  	(tag) =	ssettag $0x0;
	lr =	simm.s32 $0x1  }
0x2: {  	[smem:$0x3F9F] =	sst lr;
	_ =	strace $0xD0000000  }
0x3: {  	_ = 	snop  }
0x4: {  	_ = 	snop  }
0x5: {  	_ = 	snop  }
0x6: {  	_ = 	snop  }
0x7: {  	_ = 	snop  }
__scs_overlays_trampoline_lowered:
0x8: {  	[smem:$0x3FAE] =	sst s0  }
0x9: {  	[smem:$0x3FAF] =	sst s1  }
0xa: {  	[smem:$0x3FB0] =	sst s2  }
0xb: {  	[smem:$0x3FB1] =	sst s3  }
0xc: {  	[smem:$0x3FB2] =	sst s4  }
0xd: {  	[smem:$0x3FB3] =	sst s5  }
0xe: {  	[smem:$0x3FB4] =	sst s6  }
0xf: {  	[smem:$0x3FB5] =	sst s7  }
0x10: {  	[smem:$0x3FB6] =	sst s8  }
0x11: {  	[smem:$0x3FB7] =	sst s9;
	s0 =	simm.s32 @!p0 $0x0  }
0x12: {  	s1 =	sld [smem:$0x3F9D];
	s0 =	simm.s32 @p0 $0x1  }
0x13: {  	[smem:$0x3FB8] =	sst s0;
	s0 =	simm.s32 @!p1 $0x0  }
0x14: {  	s2 =	sld [smem:$0x3F9C];
	s0 =	simm.s32 @p1 $0x1  }
0x15: {  	[smem:$0x3FB9] =	sst s0;
	s0 =	simm.s32 @!p2 $0x0  }
0x16: {  	s3 =	sld [smem:$0x3FDB];
	s0 =	simm.s32 @p2 $0x1  }
0x17: {  	s4 =	simm.s32 $0x1BF5;
	[smem:$0x3FBB] =	sst s0  }
0x18: {  	s0 =	sld [smem:$0x3F9E];
	_ =	swait.ge [sflag:s4], $0x0  }
0x19: {  	s7 =	sld [smem:$0x3F9F]  }
0x1a: {  	s8 =	sadd.s32 $0xFFFFE003, lr  }
0x1b: {  	s9 =	sadd.s32 $0xFFFFFEF7, lr;
	s5 =	simm.s32 $0xFFFFFFFF;
	p2 =	slt.u32 s8, $0xFFFFF086  }
0x1c: {  	p1 =	slt.u32 s9, $0xF7A;
	s5 =	simm.s32 @!p2 $0x0  }
0x1d: {  	s5 =	simm.s32 @p1 $0x1;
	p0 =	seq.s32 s7, s2  }
0x1e: {  	s7 =	smul.u32 @!p0 $0xF7A, s2;
	p2 =	seq.s32 @!p0 s5, $0x0  }
0x1f: {  	s9 =	smul.u32 $0xF7A, s1;
	s8 =	simm.s32 @!p0 $0x1BF5;
	p2 =	por !p2, p0  }
0x20: {  	[sflag:s8] =	ssyncset.s32 @!p0 $0xFFFFF086;
	s6 =	sadd.s32 @!p0 s3, s7;
	s7 =	simm.s32 @!p0 $0x108  }
0x21: {  	s3 =	sadd.s32 s3, s9;
	s6 =	sadd.s32 @!p0 $0x88, s6;
	s7 =	simm.s32 @p2 $0x1082  }
0x22: {  	[simem:s7], [sflag:s8] =	dma.local @!p0 [hbm:s6], $0xF7A  }
0x23: {  	s9 =	sor.u32 $0xD0000000, s2;
	s6 =	simm.s32 $0x108;
	_ =	swait.ge @!p0 [sflag:s8], $0x0  }
0x24: {  	s3 =	sadd.s32 $0x88, s3;
	s6 =	simm.s32 @!p1 $0x1082;
	[sflag:s4] =	ssyncset.s32 $0xFFFFF086  }
0x25: {  	[simem:s6], [sflag:s4] =	dma.local [hbm:s3], $0xF7A  }
0x26: {  	[smem:$0x3F9F] =	sst s1;
	(tag) =	ssettag s2;
	_ =	strace s9  }
0x27: {  	s1 =	sld [smem:$0x3FAF]  }
0x28: {  	s2 =	sld [smem:$0x3FB0]  }
0x29: {  	s4 =	sld [smem:$0x3FB2]  }
0x2a: {  	p0 =	seq.s32 s5, $0x0;
	s5 =	sld [smem:$0x3FB3]  }
0x2b: {  	s6 =	sld [smem:$0x3FB4]  }
0x2c: {  	s7 =	sld [smem:$0x3FB5]  }
0x2d: {  	s3 =	simm.s32 $0x108;
	s8 =	sld [smem:$0x3FB6]  }
0x2e: {  	s3 =	simm.s32 @!p0 $0x1082;
	s9 =	sld [smem:$0x3FB7]  }
0x2f: {  	lr =	sadd.s32 s0, s3;
	s0 =	sld [smem:$0x3FAE]  }
0x30: {  	s3 =	sld [smem:$0x3FB1]  }
0x31: {  	[smem:$0x3FBA] =	sst s10  }
0x32: {  	s10 =	sld [smem:$0x3FB8];
	_ =	sdelay $0x3  }
0x33: {  	p0 =	seq.s32 s10, $0x1;
	s10 =	sld [smem:$0x3FBA];
	_ =	sdelay $0x3  }
0x34: {  	[smem:$0x3FBA] =	sst s10  }
0x35: {  	s10 =	sld [smem:$0x3FB9];
	_ =	sdelay $0x3  }
0x36: {  	p1 =	seq.s32 s10, $0x1;
	s10 =	sld [smem:$0x3FBA];
	_ =	sdelay $0x3  }
0x37: {  	[smem:$0x3FBA] =	sst s10  }
0x38: {  	s10 =	sld [smem:$0x3FBB]  }
0x39: {  	_ = 	snop;
	(pc) =	sbr.ind lr, $3  }
0x3a: {  	_ = 	snop  }
0x3b: {  	_ = 	snop  }
0x3c: {  	p2 =	seq.s32 s10, $0x1;
	s10 =	sld [smem:$0x3FBA]  }
0x3d: {  	_ =	shalt  }
0x3e: {  	_ =	shalt  }
0x3f: {  	_ =	shalt  }
0x40: {  	_ =	shalt  }
0x41: {  	_ =	shalt  }
0x42: {  	_ =	shalt  }
0x43: {  	_ =	shalt  }
0x44: {  	_ =	shalt  }
0x45: {  	_ =	shalt  }
0x46: {  	_ =	shalt  }
0x47: {  	_ =	shalt  }
0x48: {  	_ =	shalt  }
0x49: {  	_ =	shalt  }
0x4a: {  	_ =	shalt  }
0x4b: {  	_ =	shalt  }
0x4c: {  	_ =	shalt  }
0x4d: {  	_ =	shalt  }
0x4e: {  	_ =	shalt  }
0x4f: {  	_ =	shalt  }
0x50: {  	_ =	shalt  }
0x51: {  	_ =	shalt  }
0x52: {  	_ =	shalt  }
0x53: {  	_ =	shalt  }
0x54: {  	_ =	shalt  }
0x55: {  	_ =	shalt  }
0x56: {  	_ =	shalt  }
0x57: {  	_ =	shalt  }
0x58: {  	_ =	shalt  }
0x59: {  	_ =	shalt  }
0x5a: {  	_ =	shalt  }
0x5b: {  	_ =	shalt  }
0x5c: {  	_ =	shalt  }
0x5d: {  	_ =	shalt  }
0x5e: {  	_ =	shalt  }
0x5f: {  	_ =	shalt  }
0x60: {  	_ =	shalt  }
0x61: {  	_ =	shalt  }
0x62: {  	_ =	shalt  }
0x63: {  	_ =	shalt  }
0x64: {  	_ =	shalt  }
0x65: {  	_ =	shalt  }
0x66: {  	_ =	shalt  }
0x67: {  	_ =	shalt  }
0x68: {  	_ =	shalt  }
0x69: {  	_ =	shalt  }
0x6a: {  	_ =	shalt  }
0x6b: {  	_ =	shalt  }
0x6c: {  	_ =	shalt  }
0x6d: {  	_ =	shalt  }
0x6e: {  	_ =	shalt  }
0x6f: {  	_ =	shalt  }
0x70: {  	_ =	shalt  }
0x71: {  	_ =	shalt  }
0x72: {  	_ =	shalt  }
0x73: {  	_ =	shalt  }
0x74: {  	_ =	shalt  }
0x75: {  	_ =	shalt  }
0x76: {  	_ =	shalt  }
0x77: {  	_ =	shalt  }
0x78: {  	_ =	shalt  }
0x79: {  	_ =	shalt  }
0x7a: {  	_ =	shalt  }
0x7b: {  	_ =	shalt  }
0x7c: {  	_ =	shalt  }
0x7d: {  	_ =	shalt  }
0x7e: {  	_ =	shalt  }
0x7f: {  	_ =	shalt  }
0x80: {  	_ =	shalt  }
0x81: {  	_ =	shalt  }
0x82: {  	_ =	shalt  }
0x83: {  	_ =	shalt  }
0x84: {  	_ =	shalt  }
0x85: {  	_ =	shalt  }
0x86: {  	_ =	shalt  }
0x87: {  	_ =	shalt  }
.Lfunc_end0:
.L_simem_size_0:
called_computation_lowered:
.L_overlay_start_0:
0x88: {  	s2 =	sld [smem:$0x3FD9]  }
0x89: {  	s3 =	sld [smem:$0x3FFE];
	_ =	sdelay $0x1  }
0x8a: {  	s1 =	srdreg.scid  }
0x8b: {  	s0 =	sand.u32 $0x1, s1  }
0x8c: {  	s18 =	sshll.u32 s0, $0xA;
	s2 =	sadd.s32 s3, s2  }
0x8d: {  	s2 =	sadd.s32 s2, s18  }
0x8e: {  	[smem:$0x3FC6] =	sst s2  }
0x8f: {  	_ = 	snop  }
0x90: {  	s2 =	sld [smem:$0x3FC9]  }
0x91: {  	s19 =	sld [smem:$0x3FC8]  }
0x92: {  	s4 =	sld [smem:$0x3FD0];
	(tm) =	ssettm $0x1  }
0x93: {  	s5 =	sld [smem:$0x3FFB];
	_ =	sdelay $0x3  }
0x94: {  	_ =	strace s5  }
0x95: {  	s5 =	sld [smem:$0x3FFC];
	_ =	sdelay $0x3  }
0x96: {  	_ =	strace s5  }
0x97: {  	s5 =	sld [smem:$0x3FFD];
	_ =	sdelay $0x3  }
0x98: {  	_ =	strace s5  }
0x99: {  	_ =	strace $0x8FFFFFFF  }
0x9a: {  	s20 =	sld [smem:$0x3FDB];
	_ =	sdelay $0x1  }
0x9b: {  	s6 =	simm.s32 $_scs_section_size  }
0x9c: {  	s7 =	simm.s32 $_size__tile_overlayer_lowered;
	s8 =	simm.s32 $_tile_overlayer_lowered  }
0x9d: {  	s23 =	simm.s32 $0x1BFF;
	s22 =	sshll.u32 s8, $0x1;
	s5 =	sadd.s32 s6, s20  }
0x9e: {  	s9 =	simm.s32 $0x0;
	s21 =	sshll.u32 s7, $0x1;
	s7 =	sadd.s32 s22, s5  }
0x9f: {  	[timem:s9], [sflag:s23] =	dma.local [hbm:s7], s21  }
0xa0: {  	_ =	swait.ge [sflag:s23], s21  }
0xa1: {  	s6 =	ssub.s32 $0x0, s21;
	[sflag:s23] =	ssyncset.done $0x0  }
0xa2: {  	[sflag:s23] =	ssyncadd.s32 s6;
	_ =	sdelay $0x1  }
0xa3: {  	s24 =	simm.s32 $0x1B8B  }
0xa4: {  	_ =	swait.ge [sflag:s24], $0x1  }
0xa5: {  	[sflag:s24] =	ssyncset.done $0x0  }
0xa6: {  	s25 =	simm.s32 $0x1B8E;
	[sflag:s24] =	ssyncadd.s32 $0xFFFFFFFF  }
0xa7: {  	s26 =	simm.s32 $execute0_lowered;
	[smem:$0x3FD2] =	sst s25  }
0xa8: {  	s6 =	sshll.u32 s26, $0x1;
	_ =	strace $0x80000046;
	[dreg:$0x1] =	wrdreg $0xFFFFFFFF  }
0xa9: {  	s28 =	simm.s32 $_size_execute0_lowered;
	s5 =	sadd.s32 s5, s6;
	[dreg:$0x0] =	wrdreg $0x0  }
0xaa: {  	s6 =	sshll.u32 s28, $0x1;
	[dreg:$0x2] =	wrdreg s5  }
0xab: {  	[dreg:$0x3] =	wrdreg s6  }
0xac: {  	[dreg:$0x4] =	wrdreg $0xC0  }
0xad: {  	_ =	task [dreg:s9], $0x5FFFF  }
0xae: {  	[dreg:$0x1] =	wrdreg $0xFFFFFFFF  }
0xaf: {  	[dreg:$0x0] =	wrdreg $0x60  }
0xb0: {  	[dreg:$0x2] =	wrdreg s2  }
0xb1: {  	[dreg:$0x3] =	wrdreg s19  }
0xb2: {  	[dreg:$0x4] =	wrdreg s4  }
0xb3: {  	[dreg:$0x5] =	wrdreg $0x9  }
0xb4: {  	_ =	task.clear_ibuf [dreg:s9], $0x6FFFF;
	_ =	strace $0x90000046  }
0xb5: {  	s29 =	simm.s32 $0x9;
	_ =	strace $0x80000048  }
0xb6: {  	_ =	swait.ge [sflag:s29], $0x1  }
0xb7: {  	[sflag:s29] =	ssyncadd.s32 $0xFFFFFFFF  }
0xb8: {  	_ =	strace $0x90000048  }
0xb9: {  	_ =	sfence  }
0xba: {  	s30 =	sld [smem:$0x0];
	_ =	sdelay $0x2  }
0xbb: {  	s31 =	sshll.u32 s1, $0xD;
	s1 =	sshrl.u32 s1, $0x2  }
0xbc: {  	s3 =	sand.u32 $0x4000, s31;
	s1 =	sadd.s32 s1, s30  }
0xbd: {  	s0 =	sor.u32 s3, s0;
	s1 =	sshll.u32 s1, $0x11  }
0xbe: {  	s0 =	sor.u32 s1, s0  }
0xbf: {  	s0 =	sadd.s32 $0x8F2B, s0  }
0xc0: {  	[sflag:s0] =	ssyncadd.remote.s32 $0x1  }
0xc1: {  	_ =	sfence.sel $0xFFFF  }
0xc2: {  	[dreg:$0x0] =	wrdreg $0xFFFFFFFF;
	(pc) =	sbr.abs _section_cstart, $3  }
0xc3: {  	[dreg:$0x1] =	wrdreg $0xFFFFFFFF  }
0xc4: {  	_ =	task.clear_ibuf [dreg:s9], $0x2FFFF;
	_ =	strace $0x9FFFFFFF  }
0xc5: {  	(tm) =	ssettm $0x7FFFFFFF  }
tec
execute0_lowered:
.L_overlay_start_1:
0x0: {  	(tag) =	ssettag $0x1  }
0x1: {  	s1 =	rddreg [dreg:$0x0]  }
0x2: {  	s2 =	rddreg [dreg:$0x1]  }
0x3: {  	s3 =	rddreg [dreg:$0x2];
	s5 =	simm.s32 $0x0;
	s0 =	srdreg.scid  }
0x4: {  	s6 =	stileid.u32;
	s16 =	simm.s32 $0x200;
	s17 =	simm.s32 $0x400  }
0x5: {  	s19 =	simm.s32 $0x4000;
	s20 =	simm.s32 $0x9000;
	s21 =	simm.s32 $0x1  }
0x6: {  	s22 =	simm.s32 $0xA000;
	s23 =	simm.s32 $0x2;
	s24 =	simm.s32 $0xE000  }
0x7: {  	s25 =	simm.s32 $0x3;
	s28 =	simm.s32 $0x0;
	s0 =	sand.u32 $0x1, s0  }
0x8: {  	[smem:$0x7FF] =	sst s5;
	s6 =	sshll.u32 s6, $0x8;
	s4 =	ssub.s32 $0x2, s0  }
0x9: {  	s9 =	sadd.s32 $0x40, s2;
	s0 =	sshll.u32 s0, $0x7;
	s7 =	sshrl.u32 s4, $0x1  }
0xa: {  	_ =	strace $0x80000047;
	s6 =	sor.u32 s0, s6;
	s26 =	ssub.s32 s4, s7  }
.Ltmp0:
0xb: {  	s29 =	sshll.u32 s6, $0x9;
	s11 =	sshll.u32 s6, $0x7;
	(pc) =	sbr.rel .LBB2_1-.Ltmp0, $4  }
0xc: {  	s13 =	sor.u32 $0x8, s6;
	s14 =	sor.u32 $0xC, s6;
	s8 =	sadd.s32 s2, s11  }
0xd: {  	s7 =	sadd.s32 s1, s29;
	s31 =	sadd.s32 s11, s9;
	[dreg:$0x4] =	wrdreg s8  }
0xe: {  	s12 =	sadd.s32 s3, s29;
	s30 =	sadd.s32 $0x800, s7;
	[dreg:$0x6] =	wrdreg s31  }
0xf: {  	s15 =	smax.u32 s26, $0x1;
	s26 =	simm.s32 $0x4;
	[dreg:$0x5] =	wrdreg s30  }
.LBB2_8:
0x10: {  	s28 =	sadd.s32 $0x1, s28  }
0x11: {  	_ =	swait.ge [sflag:s25], $0x4000;
	p0 =	sne.s32 s28, s15  }
.Ltmp1:
0x12: {  	[sflag:s25] =	ssyncset.done $0x0;
	(pc) =	sbr.rel @!p0 .LBB2_9-.Ltmp1, $4  }
0x13: {  	[sflag:s25] =	ssyncadd.s32 $0xFFFFC000  }
0x14: {  	_ =	swait.ge [sflag:s26], $0x4000  }
0x15: {  	[sflag:s26] =	ssyncset.done $0x0  }
0x16: {  	[sflag:s26] =	ssyncadd.s32 $0xFFFFC000  }
.LBB2_1:
0x17: {  	[tilespmem:s5], [sflag:$0x1] =	stream.linear.gather [hbm4b:s7+s5], $0x4000, $0x38;
	[tilespmem:$0x12000] =	vst v63  }
0x18: {  	s0 =	rddreg [dreg:$0x4];
	s4 =	simm.s32 $0x8000  }
0x19: {  	[tilespmem:s4], [sflag:$0x1] =	stream.strided.gather [hbm4b:s0+s16], $0x1000, s17, s16, $0x38;
	[tilespmem:$0x12000] =	vst v63  }
0x1a: {  	s30 =	rddreg [dreg:$0x5]  }
0x1b: {  	[tilespmem:s19], [sflag:$0x2] =	stream.linear.gather [hbm4b:s30+s5], $0x4000, $0x38;
	[tilespmem:$0x12000] =	vst v63  }
0x1c: {  	s31 =	rddreg [dreg:$0x6];
	s29 =	simm.s32 $0x0  }
0x1d: {  	[tilespmem:s20], [sflag:$0x2] =	stream.strided.gather [hbm4b:s31+s16], $0x1000, s17, s16, $0x38;
	[tilespmem:$0x12000] =	vst v63  }
.LBB2_2:
0x1e: {  	_ =	swait.ge [sflag:s21], $0x4000  }
0x1f: {  	[sflag:s21] =	ssyncset.done $0x0  }
0x20: {  	[sflag:s21] =	ssyncadd.s32 $0xFFFFC000  }
0x21: {  	_ =	swait.ge [sflag:s21], $0x1000  }
0x22: {  	p0 =	seq.s32 s29, $0x0;
	[sflag:s21] =	ssyncset.done $0x0  }
0x23: {  	s0 =	simm.s32 $0x0;
	s4 =	simm.s32 @!p0 $0x3;
	[sflag:s21] =	ssyncadd.s32 $0xFFFFF000  }
0x24: {  	s18 =	simm.s32 $0x0;
	s31 =	simm.s32 $0x0;
	_ =	swait.ge @!p0 [sflag:s4], $0x4000  }
0x25: {  	s30 =	sand.u32 $0xE00, s0;
	s18 =	sand.u32 $0x3FFFFF80, s18;
	[sflag:s4] =	ssyncset.done @!p0 $0x0  }
0x26: {  	s11 =	sand.u32 $0xFFFFF000, s31;
	s10 =	sadd.s32 s30, s18;
	[sflag:s4] =	ssyncadd.s32 @!p0 $0xFFFFC000  }
0x27: {  	s31 =	sor.u32 s30, s11;
	v0 =	vld [tilespmem:s10+$0x8070]  }
0x28: {  	v1 =	vld [tilespmem:s31+$0x1F0]  }
0x29: {  	v2 =	vld [tilespmem:s10+$0x8000]  }
0x2a: {  	v3 =	vld [tilespmem:s31+$0x0]  }
0x2b: {  	v4 =	vld [tilespmem:s31+$0x80]  }
0x2c: {  	v5 =	vld [tilespmem:s31+$0x100]  }
0x2d: {  	v6 =	vld [tilespmem:s31+$0x180]  }
0x2e: {  	v7 =	vld [tilespmem:s10+$0x8010]  }
0x2f: {  	v8 =	vld [tilespmem:s31+$0x10]  }
0x30: {  	v9 =	vld [tilespmem:s31+$0x90]  }
0x31: {  	v10 =	vld [tilespmem:s31+$0x110]  }
0x32: {  	v11 =	vld [tilespmem:s31+$0x190]  }
0x33: {  	v12 =	vld [tilespmem:s10+$0x8020];
	v1 =	vadd.f32 v1, v0  }
0x34: {  	v13 =	vld [tilespmem:s31+$0x20];
	v3 =	vadd.f32 v3, v2  }
0x35: {  	[tilespmem:s31+$0xA1F0] =	vst v1;
	v1 =	vadd.f32 v4, v2;
	v4 =	vld [tilespmem:s31+$0xA0]  }
0x36: {  	[tilespmem:s31+$0xA000] =	vst v3;
	v3 =	vadd.f32 v5, v2;
	v5 =	vld [tilespmem:s31+$0x120]  }
0x37: {  	[tilespmem:s31+$0xA080] =	vst v1;
	v1 =	vadd.f32 v6, v2;
	v2 =	vld [tilespmem:s31+$0x1A0]  }
0x38: {  	[tilespmem:s31+$0xA100] =	vst v3;
	v3 =	vadd.f32 v8, v7;
	v6 =	vld [tilespmem:s10+$0x8030]  }
0x39: {  	v8 =	vld [tilespmem:s31+$0x30];
	[tilespmem:s31+$0xA180] =	vst v1;
	v1 =	vadd.f32 v9, v7  }
0x3a: {  	[tilespmem:s31+$0xA010] =	vst v3;
	v3 =	vadd.f32 v10, v7;
	v9 =	vld [tilespmem:s31+$0xB0]  }
0x3b: {  	v10 =	vld [tilespmem:s31+$0x1B0];
	[tilespmem:s31+$0xA090] =	vst v1;
	v1 =	vadd.f32 v11, v7  }
0x3c: {  	v7 =	vld [tilespmem:s31+$0x130];
	[tilespmem:s31+$0xA110] =	vst v3;
	v3 =	vadd.f32 v13, v12  }
0x3d: {  	[tilespmem:s31+$0xA190] =	vst v1;
	v1 =	vadd.f32 v4, v12;
	v4 =	vld [tilespmem:s10+$0x8040]  }
0x3e: {  	[tilespmem:s31+$0xA020] =	vst v3;
	v3 =	vadd.f32 v5, v12;
	v5 =	vld [tilespmem:s31+$0x40]  }
0x3f: {  	v11 =	vld [tilespmem:s31+$0xC0];
	[tilespmem:s31+$0xA0A0] =	vst v1;
	v1 =	vadd.f32 v2, v12  }
0x40: {  	[tilespmem:s31+$0xA120] =	vst v3;
	v2 =	vadd.f32 v8, v6;
	v3 =	vld [tilespmem:s31+$0x140]  }
0x41: {  	v8 =	vld [tilespmem:s31+$0x1C0];
	v7 =	vadd.f32 v7, v6;
	[tilespmem:s31+$0xA1A0] =	vst v1  }
0x42: {  	v1 =	vadd.f32 v9, v6;
	[tilespmem:s31+$0xA030] =	vst v2;
	v2 =	vld [tilespmem:s10+$0x8050]  }
0x43: {  	v9 =	vld [tilespmem:s31+$0x50];
	[tilespmem:s31+$0xA130] =	vst v7;
	v5 =	vadd.f32 v5, v4  }
0x44: {  	v7 =	vld [tilespmem:s31+$0xD0];
	[tilespmem:s31+$0xA0B0] =	vst v1;
	v1 =	vadd.f32 v10, v6  }
0x45: {  	v10 =	vld [tilespmem:s31+$0x150];
	[tilespmem:s31+$0xA040] =	vst v5;
	v3 =	vadd.f32 v3, v4  }
0x46: {  	v6 =	vld [tilespmem:s31+$0x1D0];
	[tilespmem:s31+$0xA1B0] =	vst v1;
	v1 =	vadd.f32 v11, v4  }
0x47: {  	v5 =	vld [tilespmem:s31+$0x60];
	v4 =	vadd.f32 v8, v4;
	[tilespmem:s31+$0xA140] =	vst v3  }
0x48: {  	v9 =	vadd.f32 v9, v2;
	[tilespmem:s31+$0xA0C0] =	vst v1;
	v1 =	vld [tilespmem:s10+$0x8060]  }
0x49: {  	v3 =	vld [tilespmem:s31+$0xE0];
	[tilespmem:s31+$0xA1C0] =	vst v4;
	v8 =	vadd.f32 v7, v2  }
0x4a: {  	s30 =	sshll.u32 s29, $0x3;
	s4 =	simm.s32 $0x0;
	v4 =	vld [tilespmem:s31+$0x160];
	[tilespmem:s31+$0xA050] =	vst v9;
	v7 =	vadd.f32 v10, v2  }
.LBB2_3:
0x4b: {  	s4 =	sadd.s32 $0x8, s4;
	[tilespmem:s31+$0xA0D0] =	vst v8;
	v2 =	vadd.f32 v6, v2;
	v6 =	vld [tilespmem:s31+$0x1E0]  }
0x4c: {  	s0 =	sadd.s32 $0x200, s0;
	s18 =	sshll.u32 s4, $0x1;
	p1 =	slt.u32 s4, $0xF8;
	[tilespmem:s31+$0xA150] =	vst v7;
	v7 =	vld [tilespmem:s31+$0x70]  }
0x4d: {  	s8 =	sand.u32 $0xE00, s0;
	s10 =	sshll.u32 s4, $0x6;
	s18 =	sand.u32 $0x3FFFFF80, s18;
	[tilespmem:s31+$0xA1D0] =	vst v2;
	v2 =	vadd.f32 v5, v1;
	v5 =	vld [tilespmem:s31+$0xF0]  }
0x4e: {  	s10 =	sand.u32 $0xFFFFF000, s10;
	s18 =	sadd.s32 s8, s18;
	v3 =	vadd.f32 v3, v1;
	v8 =	vld [tilespmem:s31+$0x170]  }
0x4f: {  	s8 =	sor.u32 s8, s10;
	v9 =	vld [tilespmem:s18+$0x8070];
	[tilespmem:s31+$0xA060] =	vst v2;
	v2 =	vadd.f32 v4, v1  }
0x50: {  	v4 =	vld [tilespmem:s8+$0x1F0];
	[tilespmem:s31+$0xA0E0] =	vst v3;
	v1 =	vadd.f32 v6, v1  }
0x51: {  	v3 =	vld [tilespmem:s18+$0x8000];
	[tilespmem:s31+$0xA160] =	vst v2;
	v2 =	vadd.f32 v7, v0  }
0x52: {  	v6 =	vld [tilespmem:s8+$0x0];
	[tilespmem:s31+$0xA1E0] =	vst v1;
	v1 =	vadd.f32 v5, v0  }
0x53: {  	v5 =	vld [tilespmem:s8+$0x80];
	[tilespmem:s31+$0xA070] =	vst v2;
	v2 =	vadd.f32 v8, v0  }
0x54: {  	v7 =	vld [tilespmem:s8+$0x100];
	[tilespmem:s31+$0xA0F0] =	vst v1;
	v0 =	vmov v9  }
0x55: {  	v1 =	vld [tilespmem:s8+$0x180];
	v4 =	vadd.f32 v4, v0;
	[tilespmem:s31+$0xA170] =	vst v2;
	s31 =	smov.u32 s8  }
0x56: {  	v2 =	vld [tilespmem:s18+$0x8010]  }
0x57: {  	v6 =	vadd.f32 v6, v3;
	v8 =	vld [tilespmem:s31+$0x10];
	[tilespmem:s31+$0xA1F0] =	vst v4  }
0x58: {  	v4 =	vadd.f32 v5, v3;
	v5 =	vld [tilespmem:s31+$0x90]  }
0x59: {  	[tilespmem:s31+$0xA000] =	vst v6;
	v6 =	vadd.f32 v7, v3;
	v7 =	vld [tilespmem:s31+$0x110]  }
0x5a: {  	[tilespmem:s31+$0xA080] =	vst v4;
	v1 =	vadd.f32 v1, v3;
	v3 =	vld [tilespmem:s31+$0x190]  }
0x5b: {  	[tilespmem:s31+$0xA100] =	vst v6;
	v4 =	vld [tilespmem:s18+$0x8020]  }
0x5c: {  	[tilespmem:s31+$0xA180] =	vst v1;
	v1 =	vadd.f32 v8, v2;
	v6 =	vld [tilespmem:s31+$0x20]  }
0x5d: {  	v5 =	vadd.f32 v5, v2;
	v8 =	vld [tilespmem:s31+$0xA0]  }
0x5e: {  	[tilespmem:s31+$0xA010] =	vst v1;
	v1 =	vadd.f32 v7, v2;
	v7 =	vld [tilespmem:s31+$0x120]  }
0x5f: {  	[tilespmem:s31+$0xA090] =	vst v5;
	v2 =	vadd.f32 v3, v2;
	v3 =	vld [tilespmem:s31+$0x1A0]  }
0x60: {  	[tilespmem:s31+$0xA110] =	vst v1;
	v1 =	vld [tilespmem:s18+$0x8030]  }
0x61: {  	[tilespmem:s31+$0xA190] =	vst v2;
	v2 =	vadd.f32 v6, v4;
	v5 =	vld [tilespmem:s31+$0x30]  }
0x62: {  	v6 =	vadd.f32 v8, v4;
	v8 =	vld [tilespmem:s31+$0xB0]  }
0x63: {  	[tilespmem:s31+$0xA020] =	vst v2;
	v2 =	vadd.f32 v7, v4;
	v7 =	vld [tilespmem:s31+$0x130]  }
0x64: {  	[tilespmem:s31+$0xA0A0] =	vst v6;
	v3 =	vadd.f32 v3, v4;
	v4 =	vld [tilespmem:s31+$0x1B0]  }
0x65: {  	[tilespmem:s31+$0xA120] =	vst v2;
	v6 =	vld [tilespmem:s18+$0x8040]  }
0x66: {  	[tilespmem:s31+$0xA1A0] =	vst v3;
	v2 =	vadd.f32 v5, v1;
	v3 =	vld [tilespmem:s31+$0x40]  }
0x67: {  	v5 =	vadd.f32 v8, v1;
	v8 =	vld [tilespmem:s31+$0xC0]  }
0x68: {  	[tilespmem:s31+$0xA030] =	vst v2;
	v2 =	vadd.f32 v7, v1;
	v7 =	vld [tilespmem:s31+$0x140]  }
0x69: {  	[tilespmem:s31+$0xA0B0] =	vst v5;
	v1 =	vadd.f32 v4, v1;
	v4 =	vld [tilespmem:s31+$0x1C0]  }
0x6a: {  	[tilespmem:s31+$0xA130] =	vst v2;
	v2 =	vld [tilespmem:s18+$0x8050]  }
0x6b: {  	[tilespmem:s31+$0xA1B0] =	vst v1;
	v1 =	vadd.f32 v3, v6;
	v3 =	vld [tilespmem:s31+$0x50]  }
0x6c: {  	v5 =	vadd.f32 v8, v6;
	v8 =	vld [tilespmem:s31+$0xD0]  }
0x6d: {  	[tilespmem:s31+$0xA040] =	vst v1;
	v1 =	vadd.f32 v7, v6;
	v7 =	vld [tilespmem:s31+$0x150]  }
.Ltmp2:
0x6e: {  	[tilespmem:s31+$0xA0C0] =	vst v5;
	v4 =	vadd.f32 v4, v6;
	v6 =	vld [tilespmem:s31+$0x1D0];
	(pc) =	sbr.rel @p1 .LBB2_3-.Ltmp2, $4  }
0x6f: {  	[tilespmem:s31+$0xA140] =	vst v1;
	v1 =	vld [tilespmem:s18+$0x8060]  }
0x70: {  	[tilespmem:s31+$0xA1C0] =	vst v4;
	v4 =	vadd.f32 v3, v2;
	v5 =	vld [tilespmem:s31+$0x60]  }
0x71: {  	v8 =	vadd.f32 v8, v2;
	v3 =	vld [tilespmem:s31+$0xE0]  }
0x72: {  	[tilespmem:s31+$0xA050] =	vst v4;
	v7 =	vadd.f32 v7, v2;
	v4 =	vld [tilespmem:s31+$0x160]  }
0x73: {  	v9 =	vld [tilespmem:s31+$0x1E0]  }
0x74: {  	[tilespmem:s31+$0xA0D0] =	vst v8;
	v2 =	vadd.f32 v6, v2;
	v6 =	vld [tilespmem:s31+$0x70]  }
0x75: {  	[tilespmem:s31+$0xA150] =	vst v7;
	v7 =	vld [tilespmem:s31+$0xF0];
	v5 =	vadd.f32 v5, v1  }
0x76: {  	[tilespmem:s31+$0xA1D0] =	vst v2;
	v2 =	vadd.f32 v3, v1;
	v3 =	vld [tilespmem:s31+$0x170]  }
0x77: {  	[tilespmem:s31+$0xA060] =	vst v5;
	v4 =	vadd.f32 v4, v1  }
0x78: {  	[tilespmem:s31+$0xA0E0] =	vst v2;
	v1 =	vadd.f32 v9, v1  }
0x79: {  	v2 =	vadd.f32 v6, v0;
	[tilespmem:s31+$0xA160] =	vst v4  }
0x7a: {  	[tilespmem:s31+$0xA1E0] =	vst v1;
	v1 =	vadd.f32 v7, v0  }
0x7b: {  	[tilespmem:s31+$0xA070] =	vst v2;
	v0 =	vadd.f32 v3, v0  }
0x7c: {  	s0 =	sshll.u32 s29, $0xC;
	[tilespmem:s31+$0xA0F0] =	vst v1  }
0x7d: {  	p1 =	seq.s32 s29, $0xF;
	s0 =	sadd.s32 s0, s12;
	[tilespmem:s31+$0xA170] =	vst v0  }
0x7e: {  	[hbm4b:s0+s5] =	stream.linear.scatter [tilespmem:s22], [sflag:$0x3], $0x4000, $0x38;
	[tilespmem:$0x12000] =	vst v63  }
0x7f: {  	s0 =	sadd.s32 @!p1 s30, s13  }
0x80: {  	s8 =	simm.s32 @!p1 $0x0;
	s4 =	sshll.u32 @!p1 s0, $0x9  }
0x81: {  	s10 =	simm.s32 @!p1 $0x8000;
	s0 =	sshll.u32 @!p1 s0, $0x7;
	s4 =	sadd.s32 @!p1 s1, s4  }
0x82: {  	[tilespmem:s8], [sflag:$0x1] =	stream.linear.gather @!p1 [hbm4b:s4+s8], $0x4000, $0x38;
	[tilespmem:$0x12000] =	vst v63  }
0x83: {  	s0 =	sadd.s32 @!p1 s2, s0;
	s4 =	simm.s32 @!p1 $0x200;
	s8 =	simm.s32 @!p1 $0x400  }
0x84: {  	[tilespmem:s10], [sflag:$0x1] =	stream.strided.gather @!p1 [hbm4b:s0+s4], $0x1000, s8, s4, $0x38;
	[tilespmem:$0x12000] =	vst v63  }
0x85: {  	_ =	swait.ge [sflag:s23], $0x4000  }
0x86: {  	[sflag:s23] =	ssyncset.done $0x0  }
0x87: {  	[sflag:s23] =	ssyncadd.s32 $0xFFFFC000  }
0x88: {  	_ =	swait.ge [sflag:s23], $0x1000  }
0x89: {  	[sflag:s23] =	ssyncset.done $0x0  }
0x8a: {  	s18 =	simm.s32 $0x0;
	s4 =	simm.s32 @!p0 $0x4;
	[sflag:s23] =	ssyncadd.s32 $0xFFFFF000  }
0x8b: {  	s0 =	simm.s32 $0x0;
	s8 =	sand.u32 $0x3FFFFF80, s18;
	_ =	swait.ge @!p0 [sflag:s4], $0x4000  }
0x8c: {  	s18 =	simm.s32 $0x0;
	s10 =	sand.u32 $0xE00, s0;
	[sflag:s4] =	ssyncset.done @!p0 $0x0  }
0x8d: {  	s18 =	sand.u32 $0xFFFFF000, s18;
	s11 =	sadd.s32 s10, s8;
	[sflag:s4] =	ssyncadd.s32 @!p0 $0xFFFFC000  }
0x8e: {  	s31 =	sor.u32 s10, s18;
	v0 =	vld [tilespmem:s11+$0x9070]  }
0x8f: {  	v1 =	vld [tilespmem:s31+$0x41F0]  }
0x90: {  	v2 =	vld [tilespmem:s11+$0x9000]  }
0x91: {  	v3 =	vld [tilespmem:s31+$0x4000]  }
0x92: {  	v4 =	vld [tilespmem:s31+$0x4080]  }
0x93: {  	v5 =	vld [tilespmem:s31+$0x4100]  }
0x94: {  	v6 =	vld [tilespmem:s31+$0x4180]  }
0x95: {  	v7 =	vld [tilespmem:s11+$0x9010]  }
0x96: {  	v8 =	vld [tilespmem:s31+$0x4010]  }
0x97: {  	v9 =	vld [tilespmem:s31+$0x4090]  }
0x98: {  	v10 =	vld [tilespmem:s31+$0x4110]  }
0x99: {  	v11 =	vld [tilespmem:s31+$0x4190]  }
0x9a: {  	v12 =	vld [tilespmem:s11+$0x9020];
	v1 =	vadd.f32 v1, v0  }
0x9b: {  	v13 =	vld [tilespmem:s31+$0x4020];
	v3 =	vadd.f32 v3, v2  }
0x9c: {  	[tilespmem:s31+$0xE1F0] =	vst v1;
	v1 =	vadd.f32 v4, v2;
	v4 =	vld [tilespmem:s31+$0x40A0]  }
0x9d: {  	[tilespmem:s31+$0xE000] =	vst v3;
	v3 =	vadd.f32 v5, v2;
	v5 =	vld [tilespmem:s31+$0x4120]  }
0x9e: {  	[tilespmem:s31+$0xE080] =	vst v1;
	v1 =	vadd.f32 v6, v2;
	v2 =	vld [tilespmem:s31+$0x41A0]  }
0x9f: {  	[tilespmem:s31+$0xE100] =	vst v3;
	v3 =	vadd.f32 v8, v7;
	v6 =	vld [tilespmem:s11+$0x9030]  }
0xa0: {  	v8 =	vld [tilespmem:s31+$0x4030];
	[tilespmem:s31+$0xE180] =	vst v1;
	v1 =	vadd.f32 v9, v7  }
0xa1: {  	[tilespmem:s31+$0xE010] =	vst v3;
	v3 =	vadd.f32 v10, v7;
	v9 =	vld [tilespmem:s31+$0x40B0]  }
0xa2: {  	v10 =	vld [tilespmem:s31+$0x41B0];
	[tilespmem:s31+$0xE090] =	vst v1;
	v1 =	vadd.f32 v11, v7  }
0xa3: {  	v7 =	vld [tilespmem:s31+$0x4130];
	[tilespmem:s31+$0xE110] =	vst v3;
	v3 =	vadd.f32 v13, v12  }
0xa4: {  	[tilespmem:s31+$0xE190] =	vst v1;
	v1 =	vadd.f32 v4, v12;
	v4 =	vld [tilespmem:s11+$0x9040]  }
0xa5: {  	[tilespmem:s31+$0xE020] =	vst v3;
	v3 =	vadd.f32 v5, v12;
	v5 =	vld [tilespmem:s31+$0x4040]  }
0xa6: {  	v11 =	vld [tilespmem:s31+$0x40C0];
	[tilespmem:s31+$0xE0A0] =	vst v1;
	v1 =	vadd.f32 v2, v12  }
0xa7: {  	[tilespmem:s31+$0xE120] =	vst v3;
	v2 =	vadd.f32 v8, v6;
	v3 =	vld [tilespmem:s31+$0x4140]  }
0xa8: {  	v8 =	vld [tilespmem:s31+$0x41C0];
	v7 =	vadd.f32 v7, v6;
	[tilespmem:s31+$0xE1A0] =	vst v1  }
0xa9: {  	v1 =	vadd.f32 v9, v6;
	[tilespmem:s31+$0xE030] =	vst v2;
	v2 =	vld [tilespmem:s11+$0x9050]  }
0xaa: {  	v9 =	vld [tilespmem:s31+$0x4050];
	[tilespmem:s31+$0xE130] =	vst v7;
	v5 =	vadd.f32 v5, v4  }
0xab: {  	v7 =	vld [tilespmem:s31+$0x40D0];
	[tilespmem:s31+$0xE0B0] =	vst v1;
	v1 =	vadd.f32 v10, v6  }
0xac: {  	v10 =	vld [tilespmem:s31+$0x4150];
	[tilespmem:s31+$0xE040] =	vst v5;
	v3 =	vadd.f32 v3, v4  }
0xad: {  	v6 =	vld [tilespmem:s31+$0x41D0];
	[tilespmem:s31+$0xE1B0] =	vst v1;
	v1 =	vadd.f32 v11, v4  }
0xae: {  	v5 =	vld [tilespmem:s31+$0x4060];
	v4 =	vadd.f32 v8, v4;
	[tilespmem:s31+$0xE140] =	vst v3  }
0xaf: {  	v9 =	vadd.f32 v9, v2;
	[tilespmem:s31+$0xE0C0] =	vst v1;
	v1 =	vld [tilespmem:s11+$0x9060]  }
0xb0: {  	v3 =	vld [tilespmem:s31+$0x40E0];
	[tilespmem:s31+$0xE1C0] =	vst v4;
	v8 =	vadd.f32 v7, v2  }
0xb1: {  	s4 =	simm.s32 $0x0;
	v4 =	vld [tilespmem:s31+$0x4160];
	[tilespmem:s31+$0xE050] =	vst v9;
	v7 =	vadd.f32 v10, v2  }
.LBB2_5:
0xb2: {  	s4 =	sadd.s32 $0x8, s4;
	[tilespmem:s31+$0xE0D0] =	vst v8;
	v2 =	vadd.f32 v6, v2;
	v6 =	vld [tilespmem:s31+$0x41E0]  }
0xb3: {  	s0 =	sadd.s32 $0x200, s0;
	s8 =	sshll.u32 s4, $0x1;
	p0 =	slt.u32 s4, $0xF8;
	[tilespmem:s31+$0xE150] =	vst v7;
	v7 =	vld [tilespmem:s31+$0x4070]  }
0xb4: {  	s10 =	sand.u32 $0xE00, s0;
	s11 =	sshll.u32 s4, $0x6;
	s8 =	sand.u32 $0x3FFFFF80, s8;
	[tilespmem:s31+$0xE1D0] =	vst v2;
	v2 =	vadd.f32 v5, v1;
	v5 =	vld [tilespmem:s31+$0x40F0]  }
0xb5: {  	s18 =	sadd.s32 s10, s8;
	s8 =	sand.u32 $0xFFFFF000, s11;
	v3 =	vadd.f32 v3, v1;
	v8 =	vld [tilespmem:s31+$0x4170]  }
0xb6: {  	s8 =	sor.u32 s10, s8;
	v9 =	vld [tilespmem:s18+$0x9070];
	[tilespmem:s31+$0xE060] =	vst v2;
	v2 =	vadd.f32 v4, v1  }
0xb7: {  	v4 =	vld [tilespmem:s8+$0x41F0];
	[tilespmem:s31+$0xE0E0] =	vst v3;
	v1 =	vadd.f32 v6, v1  }
0xb8: {  	v3 =	vld [tilespmem:s18+$0x9000];
	[tilespmem:s31+$0xE160] =	vst v2;
	v2 =	vadd.f32 v7, v0  }
0xb9: {  	v6 =	vld [tilespmem:s8+$0x4000];
	[tilespmem:s31+$0xE1E0] =	vst v1;
	v1 =	vadd.f32 v5, v0  }
0xba: {  	v5 =	vld [tilespmem:s8+$0x4080];
	[tilespmem:s31+$0xE070] =	vst v2;
	v2 =	vadd.f32 v8, v0  }
0xbb: {  	v7 =	vld [tilespmem:s8+$0x4100];
	[tilespmem:s31+$0xE0F0] =	vst v1;
	v0 =	vmov v9  }
0xbc: {  	v1 =	vld [tilespmem:s8+$0x4180];
	v4 =	vadd.f32 v4, v0;
	[tilespmem:s31+$0xE170] =	vst v2;
	s31 =	smov.u32 s8  }
0xbd: {  	v2 =	vld [tilespmem:s18+$0x9010]  }
0xbe: {  	v6 =	vadd.f32 v6, v3;
	v8 =	vld [tilespmem:s31+$0x4010];
	[tilespmem:s31+$0xE1F0] =	vst v4  }
0xbf: {  	v4 =	vadd.f32 v5, v3;
	v5 =	vld [tilespmem:s31+$0x4090]  }
0xc0: {  	[tilespmem:s31+$0xE000] =	vst v6;
	v6 =	vadd.f32 v7, v3;
	v7 =	vld [tilespmem:s31+$0x4110]  }
0xc1: {  	[tilespmem:s31+$0xE080] =	vst v4;
	v1 =	vadd.f32 v1, v3;
	v3 =	vld [tilespmem:s31+$0x4190]  }
0xc2: {  	[tilespmem:s31+$0xE100] =	vst v6;
	v4 =	vld [tilespmem:s18+$0x9020]  }
0xc3: {  	[tilespmem:s31+$0xE180] =	vst v1;
	v1 =	vadd.f32 v8, v2;
	v6 =	vld [tilespmem:s31+$0x4020]  }
0xc4: {  	v5 =	vadd.f32 v5, v2;
	v8 =	vld [tilespmem:s31+$0x40A0]  }
0xc5: {  	[tilespmem:s31+$0xE010] =	vst v1;
	v1 =	vadd.f32 v7, v2;
	v7 =	vld [tilespmem:s31+$0x4120]  }
0xc6: {  	[tilespmem:s31+$0xE090] =	vst v5;
	v2 =	vadd.f32 v3, v2;
	v3 =	vld [tilespmem:s31+$0x41A0]  }
0xc7: {  	[tilespmem:s31+$0xE110] =	vst v1;
	v1 =	vld [tilespmem:s18+$0x9030]  }
0xc8: {  	[tilespmem:s31+$0xE190] =	vst v2;
	v2 =	vadd.f32 v6, v4;
	v5 =	vld [tilespmem:s31+$0x4030]  }
0xc9: {  	v6 =	vadd.f32 v8, v4;
	v8 =	vld [tilespmem:s31+$0x40B0]  }
0xca: {  	[tilespmem:s31+$0xE020] =	vst v2;
	v2 =	vadd.f32 v7, v4;
	v7 =	vld [tilespmem:s31+$0x4130]  }
0xcb: {  	[tilespmem:s31+$0xE0A0] =	vst v6;
	v3 =	vadd.f32 v3, v4;
	v4 =	vld [tilespmem:s31+$0x41B0]  }
0xcc: {  	[tilespmem:s31+$0xE120] =	vst v2;
	v6 =	vld [tilespmem:s18+$0x9040]  }
0xcd: {  	[tilespmem:s31+$0xE1A0] =	vst v3;
	v2 =	vadd.f32 v5, v1;
	v3 =	vld [tilespmem:s31+$0x4040]  }
0xce: {  	v5 =	vadd.f32 v8, v1;
	v8 =	vld [tilespmem:s31+$0x40C0]  }
0xcf: {  	[tilespmem:s31+$0xE030] =	vst v2;
	v2 =	vadd.f32 v7, v1;
	v7 =	vld [tilespmem:s31+$0x4140]  }
0xd0: {  	[tilespmem:s31+$0xE0B0] =	vst v5;
	v1 =	vadd.f32 v4, v1;
	v4 =	vld [tilespmem:s31+$0x41C0]  }
0xd1: {  	[tilespmem:s31+$0xE130] =	vst v2;
	v2 =	vld [tilespmem:s18+$0x9050]  }
0xd2: {  	[tilespmem:s31+$0xE1B0] =	vst v1;
	v1 =	vadd.f32 v3, v6;
	v3 =	vld [tilespmem:s31+$0x4050]  }
0xd3: {  	v5 =	vadd.f32 v8, v6;
	v8 =	vld [tilespmem:s31+$0x40D0]  }
0xd4: {  	[tilespmem:s31+$0xE040] =	vst v1;
	v1 =	vadd.f32 v7, v6;
	v7 =	vld [tilespmem:s31+$0x4150]  }
.Ltmp3:
0xd5: {  	[tilespmem:s31+$0xE0C0] =	vst v5;
	v4 =	vadd.f32 v4, v6;
	v6 =	vld [tilespmem:s31+$0x41D0];
	(pc) =	sbr.rel @p0 .LBB2_5-.Ltmp3, $4  }
0xd6: {  	[tilespmem:s31+$0xE140] =	vst v1;
	v1 =	vld [tilespmem:s18+$0x9060]  }
0xd7: {  	[tilespmem:s31+$0xE1C0] =	vst v4;
	v4 =	vadd.f32 v3, v2;
	v5 =	vld [tilespmem:s31+$0x4060]  }
0xd8: {  	v8 =	vadd.f32 v8, v2;
	v3 =	vld [tilespmem:s31+$0x40E0]  }
0xd9: {  	[tilespmem:s31+$0xE050] =	vst v4;
	v7 =	vadd.f32 v7, v2;
	v4 =	vld [tilespmem:s31+$0x4160]  }
0xda: {  	v9 =	vld [tilespmem:s31+$0x41E0]  }
0xdb: {  	[tilespmem:s31+$0xE0D0] =	vst v8;
	v2 =	vadd.f32 v6, v2;
	v56 =	vld [tilespmem:s31+$0x4070]  }
0xdc: {  	v57 =	vld [tilespmem:s31+$0x40F0];
	[tilespmem:s31+$0xE150] =	vst v7;
	v5 =	vadd.f32 v5, v1  }
0xdd: {  	v59 =	vld [tilespmem:s31+$0x4170];
	[tilespmem:s31+$0xE1D0] =	vst v2;
	v58 =	vadd.f32 v3, v1  }
0xde: {  	[tilespmem:s31+$0xE060] =	vst v5;
	v4 =	vadd.f32 v4, v1  }
0xdf: {  	[tilespmem:s31+$0xE0E0] =	vst v58;
	v60 =	vadd.f32 v9, v1  }
0xe0: {  	v61 =	vadd.f32 v56, v0;
	[tilespmem:s31+$0xE160] =	vst v4  }
.Ltmp4:
0xe1: {  	s0 =	sadd.s32 s30, s6;
	v62 =	vadd.f32 v57, v0;
	[tilespmem:s31+$0xE1E0] =	vst v60;
	(pc) =	sbr.rel @p1 .LBB2_8-.Ltmp4, $4  }
0xe2: {  	s0 =	sshll.u32 s0, $0x9;
	v63 =	vadd.f32 v59, v0;
	[tilespmem:s31+$0xE070] =	vst v61  }
0xe3: {  	s0 =	sadd.s32 s3, s0;
	[tilespmem:s31+$0xE0F0] =	vst v62  }
0xe4: {  	s0 =	sadd.s32 $0x800, s0;
	[tilespmem:s31+$0xE170] =	vst v63  }
0xe5: {  	[hbm4b:s0+s5] =	stream.linear.scatter [tilespmem:s24], [sflag:$0x4], $0x4000, $0x38;
	[tilespmem:$0x12000] =	vst v63  }
0xe6: {  	s0 =	sadd.s32 s30, s14  }
.Ltmp5:
0xe7: {  	s4 =	sshll.u32 s0, $0x9;
	s0 =	sshll.u32 s0, $0x7;
	(pc) =	sbr.rel .LBB2_2-.Ltmp5, $4  }
0xe8: {  	s4 =	sadd.s32 s1, s4;
	s0 =	sand.u32 $0xFFC00, s0  }
0xe9: {  	[tilespmem:s19], [sflag:$0x2] =	stream.linear.gather [hbm4b:s4+s5], $0x4000, $0x38;
	[tilespmem:$0x12000] =	vst v63  }
0xea: {  	s29 =	sadd.s32 $0x1, s29;
	s0 =	sadd.s32 s0, s9  }
0xeb: {  	[tilespmem:s20], [sflag:$0x2] =	stream.strided.gather [hbm4b:s0+s16], $0x1000, s17, s16, $0x38;
	[tilespmem:$0x12000] =	vst v63  }
.LBB2_9:
0xec: {  	_ =	sfence.sel $0x180000  }
0xed: {  	[bflag:$0x0] =	sbarrier.arrive $0xFFFF  }
0xee: {  	_ =	strace $0x90000047  }
0xef: {  	s0 =	stileid.u32;
	[bflag:$0x2] =	sbarrier.arrive $0xFFFF  }
0xf0: {  	p0 =	sne.s32 s0, $0x0;
	s0 =	rddreg [dreg:$0x3]  }
0xf1: {  	s0 =	sadd.s32 @!p0 $0x100000, s0  }
0xf2: {  	[sflag:s0] =	ssyncadd.tile.s32 @!p0 $0x1;
	_ =	shalt  }
.Lfunc_end2:
_tile_overlayer_lowered:
.L_overlay_start_2:
0xf3: {  	(tag) =	ssettag $0x2  }
0xf4: {  	s0 =	rddreg [dreg:$0x0];
	s2 =	stileid.u32  }
0xf5: {  	s1 =	rddreg [dreg:$0x1];
	p0 =	sne.s32 s2, $0x0  }
0xf6: {  	s3 =	rddreg [dreg:$0x2];
	[bflag:$0x3] =	sbarrier.arrive $0xFFFF;
	s2 =	simm.s32 @!p0 $0x1C05  }
0xf7: {  	[timem:s3], [sflag:s2] =	dma.local @!p0 [hbm:s0], s1  }
0xf8: {  	s0 =	simm.s32 @!p0 $0x5  }
0xf9: {  	_ =	swait.ge @!p0 [sflag:s0], s1  }
0xfa: {  	s1 =	ssub.s32 @!p0 $0x0, s1;
	[sflag:s0] =	ssyncset.done @!p0 $0x0  }
0xfb: {  	[sflag:s0] =	ssyncadd.s32 @!p0 s1  }
0xfc: {  	[bflag:$0x3] =	sbarrier.arrive $0xFFFF  }
0xfd: {  	_ =	shalt  }

</sc_bundles>
